<compile_context>
chip_gen: v7x
topology: tpu7x:2x2x1
jax: 0.10.2.dev20260603
libtpu: 0.0.44.dev20260713+nightly
codegen_flags: <defaults>
</compile_context>

<pallas_src>
import jax
import jax.numpy as jnp
from jax import lax
from jax.experimental import pallas as pl
from jax.experimental.pallas import tpu as pltpu
from jax.experimental.pallas import tpu_sc as plsc

B = 16384
N_FIELDS = 26
FIELD_VOCAB = 100000
EMB = 16
N_SLOTS = N_FIELDS + 2

_INFO = plsc.get_sparse_core_info()
NC = _INFO.num_cores
NS = _INFO.num_subcores
NW = NC * NS

ROWS_UI = B // NW
ROWS_SP = N_FIELDS * B // NW
CH = 512
SP_CHUNKS = ROWS_SP // CH


def _gather_body(uid, iid, spidx, ut, it, st, out, idx_v, rows_v, sem):
  wid = lax.axis_index("s") * NC + lax.axis_index("c")

  def one(idx_hbm, idx_off, table, out_off):
    pltpu.sync_copy(idx_hbm.at[pl.ds(idx_off, CH)], idx_v)
    pltpu.async_copy(table.at[idx_v], rows_v, sem).wait()
    pltpu.sync_copy(rows_v, out.at[pl.ds(out_off, CH)])

  base = wid * ROWS_UI
  one(uid, base, ut, base)
  one(iid, base, it, B + base)

  def body(j, carry):
    off = wid * ROWS_SP + j * CH
    one(spidx, off, st, 2 * B + off)
    return carry

  lax.fori_loop(0, SP_CHUNKS, body, 0)


_gather = pl.kernel(
    _gather_body,
    out_type=jax.ShapeDtypeStruct((N_SLOTS * B, EMB), jnp.float32),
    mesh=plsc.VectorSubcoreMesh(core_axis_name="c", subcore_axis_name="s"),
    scratch_types=[
        pltpu.VMEM((CH,), jnp.int32),
        pltpu.VMEM((CH, EMB), jnp.float32),
        pltpu.SemaphoreType.DMA,
    ],
    compiler_params=pltpu.CompilerParams(use_tc_tiling_on_sc=False),
)

BBG = 256
GRID = B // (BBG * 8)


def _head_body(x_ref, w1bd_ref, b1t_ref, w2bd_ref, b2t_ref, w3bd_ref,
               b3t_ref, w4bd_ref, b4_ref, ones_ref, o_ref):
  sv = jnp.zeros((BBG, 128), jnp.float32)
  qv = jnp.zeros((BBG, 128), jnp.float32)
  h0 = jnp.zeros((BBG, 128), jnp.float32)
  for f in range(N_SLOTS):
    xf = x_ref[f]
    sv = sv + xf
    qv = qv + xf * xf
    h0 = h0 + jnp.dot(xf, w1bd_ref[f], preferred_element_type=jnp.float32)
  srow = jnp.dot(sv, ones_ref[...], preferred_element_type=jnp.float32)
  qrow = jnp.dot(qv, ones_ref[...], preferred_element_type=jnp.float32)
  fm = 0.5 * (srow * srow - qrow)

  h = jnp.maximum(h0 + b1t_ref[...], 0.0)
  h = jnp.maximum(
      jnp.dot(h, w2bd_ref[...], preferred_element_type=jnp.float32)
      + b2t_ref[...], 0.0)
  h = jnp.maximum(
      jnp.dot(h, w3bd_ref[...], preferred_element_type=jnp.float32)
      + b3t_ref[...], 0.0)
  d = (jnp.dot(h, w4bd_ref[...], preferred_element_type=jnp.float32)
       + b4_ref[...])
  logit = d + fm
  pos = 1.0 / (1.0 + jnp.exp(-logit))
  neg = jnp.exp(logit) / (1.0 + jnp.exp(logit))
  o_ref[...] = jnp.where(logit >= 0.0, pos, neg)


_full = lambda i: (0, 0)
_head = pl.pallas_call(
    _head_body,
    grid=(GRID,),
    in_specs=[
        pl.BlockSpec((N_SLOTS, BBG, 128), lambda i: (0, i, 0)),
        pl.BlockSpec((N_SLOTS, 128, 128), lambda i: (0, 0, 0)),
        pl.BlockSpec((1, 128), _full),
        pl.BlockSpec((128, 128), _full),
        pl.BlockSpec((1, 128), _full),
        pl.BlockSpec((128, 128), _full),
        pl.BlockSpec((1, 128), _full),
        pl.BlockSpec((128, 8), _full),
        pl.BlockSpec((1, 1), _full),
        pl.BlockSpec((128, 8), _full),
    ],
    out_specs=pl.BlockSpec((BBG, 8), lambda i: (i, 0)),
    out_shape=jax.ShapeDtypeStruct((B // 8, 8), jnp.float32),
)


@jax.jit
def kernel(user_ids, item_ids, sparse_features, user_table, item_table,
           sparse_tables, W1, b1, W2, b2, W3, b3, W4, b4):
  offs = (jnp.arange(N_FIELDS, dtype=jnp.int32) * FIELD_VOCAB)[:, None]
  spidx = (sparse_features.T + offs).reshape(-1)
  spflat = sparse_tables.reshape(N_FIELDS * FIELD_VOCAB, EMB)
  comb = _gather(user_ids, item_ids, spidx, user_table, item_table, spflat)

  eye8 = jnp.eye(8, dtype=jnp.float32)
  kron = lambda w: jnp.kron(eye8, w)
  w1bd = jax.vmap(kron)(W1.reshape(N_SLOTS, EMB, EMB))
  out = _head(comb.reshape(N_SLOTS, B // 8, 128),
              w1bd, jnp.tile(b1, 8).reshape(1, 128),
              kron(W2), jnp.tile(b2, 8).reshape(1, 128),
              kron(W3), jnp.tile(b3, 8).reshape(1, 128),
              kron(W4), b4.reshape(1, 1),
              kron(jnp.ones((EMB, 1), jnp.float32)))
  return out.reshape(B)

# --- scband reference (transcript-rebuilt; emitter-appended) ---
"""Pipeline reference for scband-deep-fms-8272107012515 (READ-ONLY COPY).

The authoritative reference and input builder live on the scoring server;
editing this copy changes nothing except your own understanding.
"""

import jax, jax.numpy as jnp
import numpy as np

BATCH = 16384
USER_VOCAB = 1000000
ITEM_VOCAB = 1000000
N_FIELDS = 26
FIELD_VOCAB = 100000
EMB = 16
IN_DIM = (N_FIELDS + 2) * EMB  # 448


def setup_inputs(seed: int = 0) -> dict:
    key = jax.random.key(seed)
    ks = [jax.random.fold_in(key, i) for i in range(16)]
    user_ids = jax.random.randint(ks[0], (BATCH,), 0, USER_VOCAB, dtype=jnp.int32)
    item_ids = jax.random.randint(ks[1], (BATCH,), 0, ITEM_VOCAB, dtype=jnp.int32)
    sparse_features = jax.random.randint(ks[2], (BATCH, N_FIELDS), 0, FIELD_VOCAB, dtype=jnp.int32)
    user_table = jax.random.normal(ks[3], (USER_VOCAB, EMB), dtype=jnp.float32) * 0.02
    item_table = jax.random.normal(ks[4], (ITEM_VOCAB, EMB), dtype=jnp.float32) * 0.02
    sparse_tables = jax.random.normal(ks[5], (N_FIELDS, FIELD_VOCAB, EMB), dtype=jnp.float32) * 0.02
    W1 = jax.random.normal(ks[6], (IN_DIM, EMB), dtype=jnp.float32) * 0.05
    b1 = jnp.zeros((EMB,), dtype=jnp.float32)
    W2 = jax.random.normal(ks[7], (EMB, EMB), dtype=jnp.float32) * 0.05
    b2 = jnp.zeros((EMB,), dtype=jnp.float32)
    W3 = jax.random.normal(ks[8], (EMB, EMB), dtype=jnp.float32) * 0.05
    b3 = jnp.zeros((EMB,), dtype=jnp.float32)
    W4 = jax.random.normal(ks[9], (EMB, 1), dtype=jnp.float32) * 0.05
    b4 = jnp.zeros((1,), dtype=jnp.float32)
    return {
        "user_ids": user_ids, "item_ids": item_ids, "sparse_features": sparse_features,
        "user_table": user_table, "item_table": item_table, "sparse_tables": sparse_tables,
        "W1": W1, "b1": b1, "W2": W2, "b2": b2, "W3": W3, "b3": b3, "W4": W4, "b4": b4,
    }


def _fm(fm_input):
    square_of_sum = jnp.square(jnp.sum(fm_input, axis=1, keepdims=True))
    sum_of_square = jnp.sum(fm_input * fm_input, axis=1, keepdims=True)
    cross_term = square_of_sum - sum_of_square
    return 0.5 * jnp.sum(cross_term, axis=1)


def _mlp(x, W1, b1, W2, b2, W3, b3, W4, b4):
    h = jax.nn.relu(x @ W1 + b1)
    h = jax.nn.relu(h @ W2 + b2)
    h = jax.nn.relu(h @ W3 + b3)
    return h @ W4 + b4


def reference(user_ids, item_ids, sparse_features, user_table, item_table, sparse_tables,
              W1, b1, W2, b2, W3, b3, W4, b4):
    user_emb = jnp.take(user_table, user_ids, axis=0)
    item_emb = jnp.take(item_table, item_ids, axis=0)
    sparse_embs = [jnp.take(sparse_tables[i], sparse_features[:, i], axis=0) for i in range(N_FIELDS)]
    sparse_emb = jnp.concatenate(sparse_embs, axis=-1)
    combined = jnp.concatenate([user_emb, item_emb, sparse_emb], axis=-1)
    deep_out = _mlp(combined, W1, b1, W2, b2, W3, b3, W4, b4)[:, 0]
    fm_out = _fm(combined)
    logit = deep_out + fm_out
    return jax.nn.sigmoid(logit)

if __name__ == "__main__":
    import jax
    _d = setup_inputs()
    print(jax.jit(kernel)(*tuple(_d.values())))

</pallas_src>

<mosaic_0001>
#map = affine_map<(d0, d1) -> (0)>
#map1 = affine_map<(d0, d1) -> (0, 0)>
module attributes {stable_mosaic.version = 14 : i64} {
  func.func @_gather_body(%arg0: i32, %arg1: i32, %arg2: memref<16384xi32, #tpu.memory_space<hbm>>, %arg3: memref<16384xi32, #tpu.memory_space<hbm>>, %arg4: memref<425984xi32, #tpu.memory_space<hbm>>, %arg5: memref<1000000x16xf32, #tpu.memory_space<hbm>>, %arg6: memref<1000000x16xf32, #tpu.memory_space<hbm>>, %arg7: memref<2600000x16xf32, #tpu.memory_space<hbm>>, %arg8: memref<458752x16xf32, #tpu.memory_space<hbm>>, %arg9: memref<512xi32, #tpu.memory_space<vmem>>, %arg10: memref<512x16xf32, #tpu.memory_space<vmem>>, %arg11: memref<!tpu.dma_semaphore, #tpu.memory_space<semaphore_mem>>) attributes {dimension_semantics = [#tpu.dimension_semantics<core_parallel>, #tpu.dimension_semantics<subcore_parallel>], iteration_bounds = array<i64: 2, 16>, scalar_prefetch = 0 : i64, scratch_operands = 3 : i64, tpu.core_type = #tpu.core_type<sc_vector_subcore>, window_params = [{transform_indices = #map}, {transform_indices = #map}, {transform_indices = #map}, {transform_indices = #map1}, {transform_indices = #map1}, {transform_indices = #map1}, {transform_indices = #map1}]} {
    %mul3A = arith.constant 2 : i32
    %mul3A_0 = arith.muli %arg1, %mul3A : i32
    %add3A = arith.addi %mul3A_0, %arg0 : i32
    %mul3A_1 = arith.constant 512 : i32
    %mul3A_2 = arith.muli %add3A, %mul3A_1 : i32
    "tpu.region"() ({
      %run_scoped3A = tpu.sem_alloc : memref<!tpu.dma_semaphore, #tpu.memory_space<semaphore_mem>>
      %dma_start3A_20 = tpu.memref_slice %arg2[%mul3A_2] : memref<16384xi32, #tpu.memory_space<hbm>> -> memref<512xi32, #tpu.memory_space<hbm>>
      %dma_start3A_21 = tpu.memref_slice %arg2[%mul3A_2] : memref<16384xi32, #tpu.memory_space<hbm>> -> memref<512xi32, #tpu.memory_space<hbm>>
      tpu.enqueue_dma source(%dma_start3A_21 : memref<512xi32, #tpu.memory_space<hbm>>) target(%arg9 : memref<512xi32, #tpu.memory_space<vmem>>) target_semaphore(%run_scoped3A : memref<!tpu.dma_semaphore, #tpu.memory_space<semaphore_mem>>)
      %dma_wait3A_22 = tpu.memref_slice %arg2[%mul3A_2] : memref<16384xi32, #tpu.memory_space<hbm>> -> memref<512xi32, #tpu.memory_space<hbm>>
      %dma_wait3A_23 = tpu.memref_slice %arg2[%mul3A_2] : memref<16384xi32, #tpu.memory_space<hbm>> -> memref<512xi32, #tpu.memory_space<hbm>>
      tpu.wait_dma2 semaphore(%run_scoped3A : memref<!tpu.dma_semaphore, #tpu.memory_space<semaphore_mem>>) src(%dma_wait3A_23 : memref<512xi32, #tpu.memory_space<hbm>>) dst(%arg9 : memref<512xi32, #tpu.memory_space<vmem>>)
      tpu.yield
    }) : () -> ()
    %dma_start3A = arith.constant 0 : i32
    %dma_start3A_3 = arith.constant 0 : i32
    %dma_start3A_4 = tpu.memref_slice %arg5[%dma_start3A, %dma_start3A_3] : memref<1000000x16xf32, #tpu.memory_space<hbm>> -> memref<1000000x16xf32, #tpu.memory_space<hbm>>
    tpu.enqueue_indirect_dma source(%dma_start3A_4 : memref<1000000x16xf32, #tpu.memory_space<hbm>>) target(%arg10 : memref<512x16xf32, #tpu.memory_space<vmem>>) offsets(%arg9 : memref<512xi32, #tpu.memory_space<vmem>>) semaphore(%arg11 : memref<!tpu.dma_semaphore, #tpu.memory_space<semaphore_mem>>)
    %dma_wait3A = arith.constant 0 : i32
    %dma_wait3A_5 = arith.constant 0 : i32
    %dma_wait3A_6 = tpu.memref_slice %arg5[%dma_wait3A, %dma_wait3A_5] : memref<1000000x16xf32, #tpu.memory_space<hbm>> -> memref<1000000x16xf32, #tpu.memory_space<hbm>>
    tpu.wait_indirect_dma semaphore(%arg11 : memref<!tpu.dma_semaphore, #tpu.memory_space<semaphore_mem>>) src(%dma_wait3A_6 : memref<1000000x16xf32, #tpu.memory_space<hbm>>) dst(%arg10 : memref<512x16xf32, #tpu.memory_space<vmem>>)
    "tpu.region"() ({
      %run_scoped3A = tpu.sem_alloc : memref<!tpu.dma_semaphore, #tpu.memory_space<semaphore_mem>>
      %dma_start3A_20 = arith.constant 0 : i32
      %dma_start3A_21 = tpu.memref_slice %arg8[%mul3A_2, %dma_start3A_20] : memref<458752x16xf32, #tpu.memory_space<hbm>> -> memref<512x16xf32, #tpu.memory_space<hbm>>
      %dma_start3A_22 = arith.constant 0 : i32
      %dma_start3A_23 = tpu.memref_slice %arg8[%mul3A_2, %dma_start3A_22] : memref<458752x16xf32, #tpu.memory_space<hbm>> -> memref<512x16xf32, #tpu.memory_space<hbm>>
      tpu.enqueue_dma source(%arg10 : memref<512x16xf32, #tpu.memory_space<vmem>>) target(%dma_start3A_23 : memref<512x16xf32, #tpu.memory_space<hbm>>) target_semaphore(%run_scoped3A : memref<!tpu.dma_semaphore, #tpu.memory_space<semaphore_mem>>)
      %dma_wait3A_24 = arith.constant 0 : i32
      %dma_wait3A_25 = tpu.memref_slice %arg8[%mul3A_2, %dma_wait3A_24] : memref<458752x16xf32, #tpu.memory_space<hbm>> -> memref<512x16xf32, #tpu.memory_space<hbm>>
      %dma_wait3A_26 = arith.constant 0 : i32
      %dma_wait3A_27 = tpu.memref_slice %arg8[%mul3A_2, %dma_wait3A_26] : memref<458752x16xf32, #tpu.memory_space<hbm>> -> memref<512x16xf32, #tpu.memory_space<hbm>>
      tpu.wait_dma2 semaphore(%run_scoped3A : memref<!tpu.dma_semaphore, #tpu.memory_space<semaphore_mem>>) src(%arg10 : memref<512x16xf32, #tpu.memory_space<vmem>>) dst(%dma_wait3A_27 : memref<512x16xf32, #tpu.memory_space<hbm>>)
      tpu.yield
    }) : () -> ()
    %add3A_7 = arith.constant 16384 : i32
    %add3A_8 = arith.addi %add3A_7, %mul3A_2 : i32
    "tpu.region"() ({
      %run_scoped3A = tpu.sem_alloc : memref<!tpu.dma_semaphore, #tpu.memory_space<semaphore_mem>>
      %dma_start3A_20 = tpu.memref_slice %arg3[%mul3A_2] : memref<16384xi32, #tpu.memory_space<hbm>> -> memref<512xi32, #tpu.memory_space<hbm>>
      %dma_start3A_21 = tpu.memref_slice %arg3[%mul3A_2] : memref<16384xi32, #tpu.memory_space<hbm>> -> memref<512xi32, #tpu.memory_space<hbm>>
      tpu.enqueue_dma source(%dma_start3A_21 : memref<512xi32, #tpu.memory_space<hbm>>) target(%arg9 : memref<512xi32, #tpu.memory_space<vmem>>) target_semaphore(%run_scoped3A : memref<!tpu.dma_semaphore, #tpu.memory_space<semaphore_mem>>)
      %dma_wait3A_22 = tpu.memref_slice %arg3[%mul3A_2] : memref<16384xi32, #tpu.memory_space<hbm>> -> memref<512xi32, #tpu.memory_space<hbm>>
      %dma_wait3A_23 = tpu.memref_slice %arg3[%mul3A_2] : memref<16384xi32, #tpu.memory_space<hbm>> -> memref<512xi32, #tpu.memory_space<hbm>>
      tpu.wait_dma2 semaphore(%run_scoped3A : memref<!tpu.dma_semaphore, #tpu.memory_space<semaphore_mem>>) src(%dma_wait3A_23 : memref<512xi32, #tpu.memory_space<hbm>>) dst(%arg9 : memref<512xi32, #tpu.memory_space<vmem>>)
      tpu.yield
    }) : () -> ()
    %dma_start3A_9 = arith.constant 0 : i32
    %dma_start3A_10 = arith.constant 0 : i32
    %dma_start3A_11 = tpu.memref_slice %arg6[%dma_start3A_9, %dma_start3A_10] : memref<1000000x16xf32, #tpu.memory_space<hbm>> -> memref<1000000x16xf32, #tpu.memory_space<hbm>>
    tpu.enqueue_indirect_dma source(%dma_start3A_11 : memref<1000000x16xf32, #tpu.memory_space<hbm>>) target(%arg10 : memref<512x16xf32, #tpu.memory_space<vmem>>) offsets(%arg9 : memref<512xi32, #tpu.memory_space<vmem>>) semaphore(%arg11 : memref<!tpu.dma_semaphore, #tpu.memory_space<semaphore_mem>>)
    %dma_wait3A_12 = arith.constant 0 : i32
    %dma_wait3A_13 = arith.constant 0 : i32
    %dma_wait3A_14 = tpu.memref_slice %arg6[%dma_wait3A_12, %dma_wait3A_13] : memref<1000000x16xf32, #tpu.memory_space<hbm>> -> memref<1000000x16xf32, #tpu.memory_space<hbm>>
    tpu.wait_indirect_dma semaphore(%arg11 : memref<!tpu.dma_semaphore, #tpu.memory_space<semaphore_mem>>) src(%dma_wait3A_14 : memref<1000000x16xf32, #tpu.memory_space<hbm>>) dst(%arg10 : memref<512x16xf32, #tpu.memory_space<vmem>>)
    "tpu.region"() ({
      %run_scoped3A = tpu.sem_alloc : memref<!tpu.dma_semaphore, #tpu.memory_space<semaphore_mem>>
      %dma_start3A_20 = arith.constant 0 : i32
      %dma_start3A_21 = tpu.memref_slice %arg8[%add3A_8, %dma_start3A_20] : memref<458752x16xf32, #tpu.memory_space<hbm>> -> memref<512x16xf32, #tpu.memory_space<hbm>>
      %dma_start3A_22 = arith.constant 0 : i32
      %dma_start3A_23 = tpu.memref_slice %arg8[%add3A_8, %dma_start3A_22] : memref<458752x16xf32, #tpu.memory_space<hbm>> -> memref<512x16xf32, #tpu.memory_space<hbm>>
      tpu.enqueue_dma source(%arg10 : memref<512x16xf32, #tpu.memory_space<vmem>>) target(%dma_start3A_23 : memref<512x16xf32, #tpu.memory_space<hbm>>) target_semaphore(%run_scoped3A : memref<!tpu.dma_semaphore, #tpu.memory_space<semaphore_mem>>)
      %dma_wait3A_24 = arith.constant 0 : i32
      %dma_wait3A_25 = tpu.memref_slice %arg8[%add3A_8, %dma_wait3A_24] : memref<458752x16xf32, #tpu.memory_space<hbm>> -> memref<512x16xf32, #tpu.memory_space<hbm>>
      %dma_wait3A_26 = arith.constant 0 : i32
      %dma_wait3A_27 = tpu.memref_slice %arg8[%add3A_8, %dma_wait3A_26] : memref<458752x16xf32, #tpu.memory_space<hbm>> -> memref<512x16xf32, #tpu.memory_space<hbm>>
      tpu.wait_dma2 semaphore(%run_scoped3A : memref<!tpu.dma_semaphore, #tpu.memory_space<semaphore_mem>>) src(%arg10 : memref<512x16xf32, #tpu.memory_space<vmem>>) dst(%dma_wait3A_27 : memref<512x16xf32, #tpu.memory_space<hbm>>)
      tpu.yield
    }) : () -> ()
    %scan3A = arith.constant 0 : i32
    %scan3A_15 = arith.constant 0 : i32
    %scan3A_16 = arith.constant 26 : i32
    %scan3A_17 = arith.addi %scan3A_15, %scan3A_16 : i32
    %scan3A_18 = arith.constant 1 : i32
    scf.for %scan3A_20 = %scan3A_15 to %scan3A_17 step %scan3A_18  : i32 {
      %mul3A_21 = arith.constant 13312 : i32
      %mul3A_22 = arith.muli %add3A, %mul3A_21 : i32
      %mul3A_23 = arith.constant 512 : i32
      %mul3A_24 = arith.muli %scan3A_20, %mul3A_23 : i32
      %add3A_25 = arith.addi %mul3A_22, %mul3A_24 : i32
      %add3A_26 = arith.constant 32768 : i32
      %add3A_27 = arith.addi %add3A_26, %add3A_25 : i32
      "tpu.region"() ({
        %run_scoped3A = tpu.sem_alloc : memref<!tpu.dma_semaphore, #tpu.memory_space<semaphore_mem>>
        %dma_start3A_34 = tpu.memref_slice %arg4[%add3A_25] : memref<425984xi32, #tpu.memory_space<hbm>> -> memref<512xi32, #tpu.memory_space<hbm>>
        %dma_start3A_35 = tpu.memref_slice %arg4[%add3A_25] : memref<425984xi32, #tpu.memory_space<hbm>> -> memref<512xi32, #tpu.memory_space<hbm>>
        tpu.enqueue_dma source(%dma_start3A_35 : memref<512xi32, #tpu.memory_space<hbm>>) target(%arg9 : memref<512xi32, #tpu.memory_space<vmem>>) target_semaphore(%run_scoped3A : memref<!tpu.dma_semaphore, #tpu.memory_space<semaphore_mem>>)
        %dma_wait3A_36 = tpu.memref_slice %arg4[%add3A_25] : memref<425984xi32, #tpu.memory_space<hbm>> -> memref<512xi32, #tpu.memory_space<hbm>>
        %dma_wait3A_37 = tpu.memref_slice %arg4[%add3A_25] : memref<425984xi32, #tpu.memory_space<hbm>> -> memref<512xi32, #tpu.memory_space<hbm>>
        tpu.wait_dma2 semaphore(%run_scoped3A : memref<!tpu.dma_semaphore, #tpu.memory_space<semaphore_mem>>) src(%dma_wait3A_37 : memref<512xi32, #tpu.memory_space<hbm>>) dst(%arg9 : memref<512xi32, #tpu.memory_space<vmem>>)
        tpu.yield
      }) : () -> ()
      %dma_start3A_28 = arith.constant 0 : i32
      %dma_start3A_29 = arith.constant 0 : i32
      %dma_start3A_30 = tpu.memref_slice %arg7[%dma_start3A_28, %dma_start3A_29] : memref<2600000x16xf32, #tpu.memory_space<hbm>> -> memref<2600000x16xf32, #tpu.memory_space<hbm>>
      tpu.enqueue_indirect_dma source(%dma_start3A_30 : memref<2600000x16xf32, #tpu.memory_space<hbm>>) target(%arg10 : memref<512x16xf32, #tpu.memory_space<vmem>>) offsets(%arg9 : memref<512xi32, #tpu.memory_space<vmem>>) semaphore(%arg11 : memref<!tpu.dma_semaphore, #tpu.memory_space<semaphore_mem>>)
      %dma_wait3A_31 = arith.constant 0 : i32
      %dma_wait3A_32 = arith.constant 0 : i32
      %dma_wait3A_33 = tpu.memref_slice %arg7[%dma_wait3A_31, %dma_wait3A_32] : memref<2600000x16xf32, #tpu.memory_space<hbm>> -> memref<2600000x16xf32, #tpu.memory_space<hbm>>
      tpu.wait_indirect_dma semaphore(%arg11 : memref<!tpu.dma_semaphore, #tpu.memory_space<semaphore_mem>>) src(%dma_wait3A_33 : memref<2600000x16xf32, #tpu.memory_space<hbm>>) dst(%arg10 : memref<512x16xf32, #tpu.memory_space<vmem>>)
      "tpu.region"() ({
        %run_scoped3A = tpu.sem_alloc : memref<!tpu.dma_semaphore, #tpu.memory_space<semaphore_mem>>
        %dma_start3A_34 = arith.constant 0 : i32
        %dma_start3A_35 = tpu.memref_slice %arg8[%add3A_27, %dma_start3A_34] : memref<458752x16xf32, #tpu.memory_space<hbm>> -> memref<512x16xf32, #tpu.memory_space<hbm>>
        %dma_start3A_36 = arith.constant 0 : i32
        %dma_start3A_37 = tpu.memref_slice %arg8[%add3A_27, %dma_start3A_36] : memref<458752x16xf32, #tpu.memory_space<hbm>> -> memref<512x16xf32, #tpu.memory_space<hbm>>
        tpu.enqueue_dma source(%arg10 : memref<512x16xf32, #tpu.memory_space<vmem>>) target(%dma_start3A_37 : memref<512x16xf32, #tpu.memory_space<hbm>>) target_semaphore(%run_scoped3A : memref<!tpu.dma_semaphore, #tpu.memory_space<semaphore_mem>>)
        %dma_wait3A_38 = arith.constant 0 : i32
        %dma_wait3A_39 = tpu.memref_slice %arg8[%add3A_27, %dma_wait3A_38] : memref<458752x16xf32, #tpu.memory_space<hbm>> -> memref<512x16xf32, #tpu.memory_space<hbm>>
        %dma_wait3A_40 = arith.constant 0 : i32
        %dma_wait3A_41 = tpu.memref_slice %arg8[%add3A_27, %dma_wait3A_40] : memref<458752x16xf32, #tpu.memory_space<hbm>> -> memref<512x16xf32, #tpu.memory_space<hbm>>
        tpu.wait_dma2 semaphore(%run_scoped3A : memref<!tpu.dma_semaphore, #tpu.memory_space<semaphore_mem>>) src(%arg10 : memref<512x16xf32, #tpu.memory_space<vmem>>) dst(%dma_wait3A_41 : memref<512x16xf32, #tpu.memory_space<hbm>>)
        tpu.yield
      }) : () -> ()
    }
    %scan3A_19 = arith.constant 26 : i32
    return
  }
}

module attributes {stable_mosaic.version = 14 : i64} {
  func.func @_head_body(%arg0: i32, %arg1: memref<28x256x128xf32, #tpu.memory_space<vmem>>, %arg2: memref<28x128x128xf32, #tpu.memory_space<vmem>>, %arg3: memref<1x128xf32, #tpu.memory_space<vmem>>, %arg4: memref<128x128xf32, #tpu.memory_space<vmem>>, %arg5: memref<1x128xf32, #tpu.memory_space<vmem>>, %arg6: memref<128x128xf32, #tpu.memory_space<vmem>>, %arg7: memref<1x128xf32, #tpu.memory_space<vmem>>, %arg8: memref<128x8xf32, #tpu.memory_space<vmem>>, %arg9: memref<1x1xf32, #tpu.memory_space<vmem>>, %arg10: memref<128x8xf32, #tpu.memory_space<vmem>>, %arg11: memref<256x8xf32, #tpu.memory_space<vmem>>) attributes {dimension_semantics = [#tpu.dimension_semantics<arbitrary>], iteration_bounds = array<i64: 8>, scalar_prefetch = 0 : i64, scratch_operands = 0 : i64, tpu.core_type = #tpu.core_type<tc>, window_params = [{transform_indices = @transform_0, window_bounds = array<i64: 28, 256, 128>}, {pipeline_mode = #tpu.pipeline_mode<synchronous>, transform_indices = @transform_1, window_bounds = array<i64: 28, 128, 128>}, {pipeline_mode = #tpu.pipeline_mode<synchronous>, transform_indices = @transform_2, window_bounds = array<i64: 1, 128>}, {pipeline_mode = #tpu.pipeline_mode<synchronous>, transform_indices = @transform_3, window_bounds = array<i64: 128, 128>}, {pipeline_mode = #tpu.pipeline_mode<synchronous>, transform_indices = @transform_4, window_bounds = array<i64: 1, 128>}, {pipeline_mode = #tpu.pipeline_mode<synchronous>, transform_indices = @transform_5, window_bounds = array<i64: 128, 128>}, {pipeline_mode = #tpu.pipeline_mode<synchronous>, transform_indices = @transform_6, window_bounds = array<i64: 1, 128>}, {pipeline_mode = #tpu.pipeline_mode<synchronous>, transform_indices = @transform_7, window_bounds = array<i64: 128, 8>}, {pipeline_mode = #tpu.pipeline_mode<synchronous>, transform_indices = @transform_8, window_bounds = array<i64: 1, 1>}, {pipeline_mode = #tpu.pipeline_mode<synchronous>, transform_indices = @transform_9, window_bounds = array<i64: 128, 8>}, {transform_indices = @transform_10, window_bounds = array<i64: 256, 8>}]} {
    %broadcast_in_dim3A = arith.constant 0.000000e+00 : f32
    %broadcast_in_dim3A_0 = vector.broadcast %broadcast_in_dim3A : f32 to vector<256x128xf32>
    %broadcast_in_dim3A_1 = arith.constant 0.000000e+00 : f32
    %broadcast_in_dim3A_2 = vector.broadcast %broadcast_in_dim3A_1 : f32 to vector<256x128xf32>
    %broadcast_in_dim3A_3 = arith.constant 0.000000e+00 : f32
    %broadcast_in_dim3A_4 = vector.broadcast %broadcast_in_dim3A_3 : f32 to vector<256x128xf32>
    %get3A = arith.constant 0 : index
    %get3A_5 = arith.constant 0 : index
    %get3A_6 = arith.constant 0 : index
    %get3A_7 = vector.load %arg1[%get3A, %get3A_5, %get3A_6] : memref<28x256x128xf32, #tpu.memory_space<vmem>>, vector<1x256x128xf32>
    %get3A_8 = vector.shape_cast %get3A_7 : vector<1x256x128xf32> to vector<256x128xf32>
    %add3A = arith.addf %broadcast_in_dim3A_0, %get3A_8 : vector<256x128xf32>
    %mul3A = arith.mulf %get3A_8, %get3A_8 : vector<256x128xf32>
    %add3A_9 = arith.addf %broadcast_in_dim3A_2, %mul3A : vector<256x128xf32>
    %get3A_10 = arith.constant 0 : index
    %get3A_11 = arith.constant 0 : index
    %get3A_12 = arith.constant 0 : index
    %get3A_13 = vector.load %arg2[%get3A_10, %get3A_11, %get3A_12] : memref<28x128x128xf32, #tpu.memory_space<vmem>>, vector<1x128x128xf32>
    %get3A_14 = vector.shape_cast %get3A_13 : vector<1x128x128xf32> to vector<128x128xf32>
    %dot_general3A = arith.constant dense<0.000000e+00> : vector<256x128xf32>
    %dot_general3A_15 = tpu.matmul %get3A_8, %get3A_14, %dot_general3A {dimension_numbers = #tpu.dot_dimension_numbers<[1], [0], [0], [1], [0, 0, 1, 1], [], []>, transpose_lhs_hint = false} : vector<256x128xf32>, vector<128x128xf32>, vector<256x128xf32> -> vector<256x128xf32>
    %add3A_16 = arith.addf %broadcast_in_dim3A_4, %dot_general3A_15 : vector<256x128xf32>
    %get3A_17 = arith.constant 1 : index
    %get3A_18 = arith.constant 0 : index
    %get3A_19 = arith.constant 0 : index
    %get3A_20 = vector.load %arg1[%get3A_17, %get3A_18, %get3A_19] : memref<28x256x128xf32, #tpu.memory_space<vmem>>, vector<1x256x128xf32>
    %get3A_21 = vector.shape_cast %get3A_20 : vector<1x256x128xf32> to vector<256x128xf32>
    %add3A_22 = arith.addf %add3A, %get3A_21 : vector<256x128xf32>
    %mul3A_23 = arith.mulf %get3A_21, %get3A_21 : vector<256x128xf32>
    %add3A_24 = arith.addf %add3A_9, %mul3A_23 : vector<256x128xf32>
    %get3A_25 = arith.constant 1 : index
    %get3A_26 = arith.constant 0 : index
    %get3A_27 = arith.constant 0 : index
    %get3A_28 = vector.load %arg2[%get3A_25, %get3A_26, %get3A_27] : memref<28x128x128xf32, #tpu.memory_space<vmem>>, vector<1x128x128xf32>
    %get3A_29 = vector.shape_cast %get3A_28 : vector<1x128x128xf32> to vector<128x128xf32>
    %dot_general3A_30 = arith.constant dense<0.000000e+00> : vector<256x128xf32>
    %dot_general3A_31 = tpu.matmul %get3A_21, %get3A_29, %dot_general3A_30 {dimension_numbers = #tpu.dot_dimension_numbers<[1], [0], [0], [1], [0, 0, 1, 1], [], []>, transpose_lhs_hint = false} : vector<256x128xf32>, vector<128x128xf32>, vector<256x128xf32> -> vector<256x128xf32>
    %add3A_32 = arith.addf %add3A_16, %dot_general3A_31 : vector<256x128xf32>
    %get3A_33 = arith.constant 2 : index
    %get3A_34 = arith.constant 0 : index
    %get3A_35 = arith.constant 0 : index
    %get3A_36 = vector.load %arg1[%get3A_33, %get3A_34, %get3A_35] : memref<28x256x128xf32, #tpu.memory_space<vmem>>, vector<1x256x128xf32>
    %get3A_37 = vector.shape_cast %get3A_36 : vector<1x256x128xf32> to vector<256x128xf32>
    %add3A_38 = arith.addf %add3A_22, %get3A_37 : vector<256x128xf32>
    %mul3A_39 = arith.mulf %get3A_37, %get3A_37 : vector<256x128xf32>
    %add3A_40 = arith.addf %add3A_24, %mul3A_39 : vector<256x128xf32>
    %get3A_41 = arith.constant 2 : index
    %get3A_42 = arith.constant 0 : index
    %get3A_43 = arith.constant 0 : index
    %get3A_44 = vector.load %arg2[%get3A_41, %get3A_42, %get3A_43] : memref<28x128x128xf32, #tpu.memory_space<vmem>>, vector<1x128x128xf32>
    %get3A_45 = vector.shape_cast %get3A_44 : vector<1x128x128xf32> to vector<128x128xf32>
    %dot_general3A_46 = arith.constant dense<0.000000e+00> : vector<256x128xf32>
    %dot_general3A_47 = tpu.matmul %get3A_37, %get3A_45, %dot_general3A_46 {dimension_numbers = #tpu.dot_dimension_numbers<[1], [0], [0], [1], [0, 0, 1, 1], [], []>, transpose_lhs_hint = false} : vector<256x128xf32>, vector<128x128xf32>, vector<256x128xf32> -> vector<256x128xf32>
    %add3A_48 = arith.addf %add3A_32, %dot_general3A_47 : vector<256x128xf32>
    %get3A_49 = arith.constant 3 : index
    %get3A_50 = arith.constant 0 : index
    %get3A_51 = arith.constant 0 : index
    %get3A_52 = vector.load %arg1[%get3A_49, %get3A_50, %get3A_51] : memref<28x256x128xf32, #tpu.memory_space<vmem>>, vector<1x256x128xf32>
    %get3A_53 = vector.shape_cast %get3A_52 : vector<1x256x128xf32> to vector<256x128xf32>
    %add3A_54 = arith.addf %add3A_38, %get3A_53 : vector<256x128xf32>
    %mul3A_55 = arith.mulf %get3A_53, %get3A_53 : vector<256x128xf32>
    %add3A_56 = arith.addf %add3A_40, %mul3A_55 : vector<256x128xf32>
    %get3A_57 = arith.constant 3 : index
    %get3A_58 = arith.constant 0 : index
    %get3A_59 = arith.constant 0 : index
    %get3A_60 = vector.load %arg2[%get3A_57, %get3A_58, %get3A_59] : memref<28x128x128xf32, #tpu.memory_space<vmem>>, vector<1x128x128xf32>
    %get3A_61 = vector.shape_cast %get3A_60 : vector<1x128x128xf32> to vector<128x128xf32>
    %dot_general3A_62 = arith.constant dense<0.000000e+00> : vector<256x128xf32>
    %dot_general3A_63 = tpu.matmul %get3A_53, %get3A_61, %dot_general3A_62 {dimension_numbers = #tpu.dot_dimension_numbers<[1], [0], [0], [1], [0, 0, 1, 1], [], []>, transpose_lhs_hint = false} : vector<256x128xf32>, vector<128x128xf32>, vector<256x128xf32> -> vector<256x128xf32>
    %add3A_64 = arith.addf %add3A_48, %dot_general3A_63 : vector<256x128xf32>
    %get3A_65 = arith.constant 4 : index
    %get3A_66 = arith.constant 0 : index
    %get3A_67 = arith.constant 0 : index
    %get3A_68 = vector.load %arg1[%get3A_65, %get3A_66, %get3A_67] : memref<28x256x128xf32, #tpu.memory_space<vmem>>, vector<1x256x128xf32>
    %get3A_69 = vector.shape_cast %get3A_68 : vector<1x256x128xf32> to vector<256x128xf32>
    %add3A_70 = arith.addf %add3A_54, %get3A_69 : vector<256x128xf32>
    %mul3A_71 = arith.mulf %get3A_69, %get3A_69 : vector<256x128xf32>
    %add3A_72 = arith.addf %add3A_56, %mul3A_71 : vector<256x128xf32>
    %get3A_73 = arith.constant 4 : index
    %get3A_74 = arith.constant 0 : index
    %get3A_75 = arith.constant 0 : index
    %get3A_76 = vector.load %arg2[%get3A_73, %get3A_74, %get3A_75] : memref<28x128x128xf32, #tpu.memory_space<vmem>>, vector<1x128x128xf32>
    %get3A_77 = vector.shape_cast %get3A_76 : vector<1x128x128xf32> to vector<128x128xf32>
    %dot_general3A_78 = arith.constant dense<0.000000e+00> : vector<256x128xf32>
    %dot_general3A_79 = tpu.matmul %get3A_69, %get3A_77, %dot_general3A_78 {dimension_numbers = #tpu.dot_dimension_numbers<[1], [0], [0], [1], [0, 0, 1, 1], [], []>, transpose_lhs_hint = false} : vector<256x128xf32>, vector<128x128xf32>, vector<256x128xf32> -> vector<256x128xf32>
    %add3A_80 = arith.addf %add3A_64, %dot_general3A_79 : vector<256x128xf32>
    %get3A_81 = arith.constant 5 : index
    %get3A_82 = arith.constant 0 : index
    %get3A_83 = arith.constant 0 : index
    %get3A_84 = vector.load %arg1[%get3A_81, %get3A_82, %get3A_83] : memref<28x256x128xf32, #tpu.memory_space<vmem>>, vector<1x256x128xf32>
    %get3A_85 = vector.shape_cast %get3A_84 : vector<1x256x128xf32> to vector<256x128xf32>
    %add3A_86 = arith.addf %add3A_70, %get3A_85 : vector<256x128xf32>
    %mul3A_87 = arith.mulf %get3A_85, %get3A_85 : vector<256x128xf32>
    %add3A_88 = arith.addf %add3A_72, %mul3A_87 : vector<256x128xf32>
    %get3A_89 = arith.constant 5 : index
    %get3A_90 = arith.constant 0 : index
    %get3A_91 = arith.constant 0 : index
    %get3A_92 = vector.load %arg2[%get3A_89, %get3A_90, %get3A_91] : memref<28x128x128xf32, #tpu.memory_space<vmem>>, vector<1x128x128xf32>
    %get3A_93 = vector.shape_cast %get3A_92 : vector<1x128x128xf32> to vector<128x128xf32>
    %dot_general3A_94 = arith.constant dense<0.000000e+00> : vector<256x128xf32>
    %dot_general3A_95 = tpu.matmul %get3A_85, %get3A_93, %dot_general3A_94 {dimension_numbers = #tpu.dot_dimension_numbers<[1], [0], [0], [1], [0, 0, 1, 1], [], []>, transpose_lhs_hint = false} : vector<256x128xf32>, vector<128x128xf32>, vector<256x128xf32> -> vector<256x128xf32>
    %add3A_96 = arith.addf %add3A_80, %dot_general3A_95 : vector<256x128xf32>
    %get3A_97 = arith.constant 6 : index
    %get3A_98 = arith.constant 0 : index
    %get3A_99 = arith.constant 0 : index
    %get3A_100 = vector.load %arg1[%get3A_97, %get3A_98, %get3A_99] : memref<28x256x128xf32, #tpu.memory_space<vmem>>, vector<1x256x128xf32>
    %get3A_101 = vector.shape_cast %get3A_100 : vector<1x256x128xf32> to vector<256x128xf32>
    %add3A_102 = arith.addf %add3A_86, %get3A_101 : vector<256x128xf32>
    %mul3A_103 = arith.mulf %get3A_101, %get3A_101 : vector<256x128xf32>
    %add3A_104 = arith.addf %add3A_88, %mul3A_103 : vector<256x128xf32>
    %get3A_105 = arith.constant 6 : index
    %get3A_106 = arith.constant 0 : index
    %get3A_107 = arith.constant 0 : index
    %get3A_108 = vector.load %arg2[%get3A_105, %get3A_106, %get3A_107] : memref<28x128x128xf32, #tpu.memory_space<vmem>>, vector<1x128x128xf32>
    %get3A_109 = vector.shape_cast %get3A_108 : vector<1x128x128xf32> to vector<128x128xf32>
    %dot_general3A_110 = arith.constant dense<0.000000e+00> : vector<256x128xf32>
    %dot_general3A_111 = tpu.matmul %get3A_101, %get3A_109, %dot_general3A_110 {dimension_numbers = #tpu.dot_dimension_numbers<[1], [0], [0], [1], [0, 0, 1, 1], [], []>, transpose_lhs_hint = false} : vector<256x128xf32>, vector<128x128xf32>, vector<256x128xf32> -> vector<256x128xf32>
    %add3A_112 = arith.addf %add3A_96, %dot_general3A_111 : vector<256x128xf32>
    %get3A_113 = arith.constant 7 : index
    %get3A_114 = arith.constant 0 : index
    %get3A_115 = arith.constant 0 : index
    %get3A_116 = vector.load %arg1[%get3A_113, %get3A_114, %get3A_115] : memref<28x256x128xf32, #tpu.memory_space<vmem>>, vector<1x256x128xf32>
    %get3A_117 = vector.shape_cast %get3A_116 : vector<1x256x128xf32> to vector<256x128xf32>
    %add3A_118 = arith.addf %add3A_102, %get3A_117 : vector<256x128xf32>
    %mul3A_119 = arith.mulf %get3A_117, %get3A_117 : vector<256x128xf32>
    %add3A_120 = arith.addf %add3A_104, %mul3A_119 : vector<256x128xf32>
    %get3A_121 = arith.constant 7 : index
    %get3A_122 = arith.constant 0 : index
    %get3A_123 = arith.constant 0 : index
    %get3A_124 = vector.load %arg2[%get3A_121, %get3A_122, %get3A_123] : memref<28x128x128xf32, #tpu.memory_space<vmem>>, vector<1x128x128xf32>
    %get3A_125 = vector.shape_cast %get3A_124 : vector<1x128x128xf32> to vector<128x128xf32>
    %dot_general3A_126 = arith.constant dense<0.000000e+00> : vector<256x128xf32>
    %dot_general3A_127 = tpu.matmul %get3A_117, %get3A_125, %dot_general3A_126 {dimension_numbers = #tpu.dot_dimension_numbers<[1], [0], [0], [1], [0, 0, 1, 1], [], []>, transpose_lhs_hint = false} : vector<256x128xf32>, vector<128x128xf32>, vector<256x128xf32> -> vector<256x128xf32>
    %add3A_128 = arith.addf %add3A_112, %dot_general3A_127 : vector<256x128xf32>
    %get3A_129 = arith.constant 8 : index
    %get3A_130 = arith.constant 0 : index
    %get3A_131 = arith.constant 0 : index
    %get3A_132 = vector.load %arg1[%get3A_129, %get3A_130, %get3A_131] : memref<28x256x128xf32, #tpu.memory_space<vmem>>, vector<1x256x128xf32>
    %get3A_133 = vector.shape_cast %get3A_132 : vector<1x256x128xf32> to vector<256x128xf32>
    %add3A_134 = arith.addf %add3A_118, %get3A_133 : vector<256x128xf32>
    %mul3A_135 = arith.mulf %get3A_133, %get3A_133 : vector<256x128xf32>
    %add3A_136 = arith.addf %add3A_120, %mul3A_135 : vector<256x128xf32>
    %get3A_137 = arith.constant 8 : index
    %get3A_138 = arith.constant 0 : index
    %get3A_139 = arith.constant 0 : index
    %get3A_140 = vector.load %arg2[%get3A_137, %get3A_138, %get3A_139] : memref<28x128x128xf32, #tpu.memory_space<vmem>>, vector<1x128x128xf32>
    %get3A_141 = vector.shape_cast %get3A_140 : vector<1x128x128xf32> to vector<128x128xf32>
    %dot_general3A_142 = arith.constant dense<0.000000e+00> : vector<256x128xf32>
    %dot_general3A_143 = tpu.matmul %get3A_133, %get3A_141, %dot_general3A_142 {dimension_numbers = #tpu.dot_dimension_numbers<[1], [0], [0], [1], [0, 0, 1, 1], [], []>, transpose_lhs_hint = false} : vector<256x128xf32>, vector<128x128xf32>, vector<256x128xf32> -> vector<256x128xf32>
    %add3A_144 = arith.addf %add3A_128, %dot_general3A_143 : vector<256x128xf32>
    %get3A_145 = arith.constant 9 : index
    %get3A_146 = arith.constant 0 : index
    %get3A_147 = arith.constant 0 : index
    %get3A_148 = vector.load %arg1[%get3A_145, %get3A_146, %get3A_147] : memref<28x256x128xf32, #tpu.memory_space<vmem>>, vector<1x256x128xf32>
    %get3A_149 = vector.shape_cast %get3A_148 : vector<1x256x128xf32> to vector<256x128xf32>
    %add3A_150 = arith.addf %add3A_134, %get3A_149 : vector<256x128xf32>
    %mul3A_151 = arith.mulf %get3A_149, %get3A_149 : vector<256x128xf32>
    %add3A_152 = arith.addf %add3A_136, %mul3A_151 : vector<256x128xf32>
    %get3A_153 = arith.constant 9 : index
    %get3A_154 = arith.constant 0 : index
    %get3A_155 = arith.constant 0 : index
    %get3A_156 = vector.load %arg2[%get3A_153, %get3A_154, %get3A_155] : memref<28x128x128xf32, #tpu.memory_space<vmem>>, vector<1x128x128xf32>
    %get3A_157 = vector.shape_cast %get3A_156 : vector<1x128x128xf32> to vector<128x128xf32>
    %dot_general3A_158 = arith.constant dense<0.000000e+00> : vector<256x128xf32>
    %dot_general3A_159 = tpu.matmul %get3A_149, %get3A_157, %dot_general3A_158 {dimension_numbers = #tpu.dot_dimension_numbers<[1], [0], [0], [1], [0, 0, 1, 1], [], []>, transpose_lhs_hint = false} : vector<256x128xf32>, vector<128x128xf32>, vector<256x128xf32> -> vector<256x128xf32>
    %add3A_160 = arith.addf %add3A_144, %dot_general3A_159 : vector<256x128xf32>
    %get3A_161 = arith.constant 10 : index
    %get3A_162 = arith.constant 0 : index
    %get3A_163 = arith.constant 0 : index
    %get3A_164 = vector.load %arg1[%get3A_161, %get3A_162, %get3A_163] : memref<28x256x128xf32, #tpu.memory_space<vmem>>, vector<1x256x128xf32>
    %get3A_165 = vector.shape_cast %get3A_164 : vector<1x256x128xf32> to vector<256x128xf32>
    %add3A_166 = arith.addf %add3A_150, %get3A_165 : vector<256x128xf32>
    %mul3A_167 = arith.mulf %get3A_165, %get3A_165 : vector<256x128xf32>
    %add3A_168 = arith.addf %add3A_152, %mul3A_167 : vector<256x128xf32>
    %get3A_169 = arith.constant 10 : index
    %get3A_170 = arith.constant 0 : index
    %get3A_171 = arith.constant 0 : index
    %get3A_172 = vector.load %arg2[%get3A_169, %get3A_170, %get3A_171] : memref<28x128x128xf32, #tpu.memory_space<vmem>>, vector<1x128x128xf32>
    %get3A_173 = vector.shape_cast %get3A_172 : vector<1x128x128xf32> to vector<128x128xf32>
    %dot_general3A_174 = arith.constant dense<0.000000e+00> : vector<256x128xf32>
    %dot_general3A_175 = tpu.matmul %get3A_165, %get3A_173, %dot_general3A_174 {dimension_numbers = #tpu.dot_dimension_numbers<[1], [0], [0], [1], [0, 0, 1, 1], [], []>, transpose_lhs_hint = false} : vector<256x128xf32>, vector<128x128xf32>, vector<256x128xf32> -> vector<256x128xf32>
    %add3A_176 = arith.addf %add3A_160, %dot_general3A_175 : vector<256x128xf32>
    %get3A_177 = arith.constant 11 : index
    %get3A_178 = arith.constant 0 : index
    %get3A_179 = arith.constant 0 : index
    %get3A_180 = vector.load %arg1[%get3A_177, %get3A_178, %get3A_179] : memref<28x256x128xf32, #tpu.memory_space<vmem>>, vector<1x256x128xf32>
    %get3A_181 = vector.shape_cast %get3A_180 : vector<1x256x128xf32> to vector<256x128xf32>
    %add3A_182 = arith.addf %add3A_166, %get3A_181 : vector<256x128xf32>
    %mul3A_183 = arith.mulf %get3A_181, %get3A_181 : vector<256x128xf32>
    %add3A_184 = arith.addf %add3A_168, %mul3A_183 : vector<256x128xf32>
    %get3A_185 = arith.constant 11 : index
    %get3A_186 = arith.constant 0 : index
    %get3A_187 = arith.constant 0 : index
    %get3A_188 = vector.load %arg2[%get3A_185, %get3A_186, %get3A_187] : memref<28x128x128xf32, #tpu.memory_space<vmem>>, vector<1x128x128xf32>
    %get3A_189 = vector.shape_cast %get3A_188 : vector<1x128x128xf32> to vector<128x128xf32>
    %dot_general3A_190 = arith.constant dense<0.000000e+00> : vector<256x128xf32>
    %dot_general3A_191 = tpu.matmul %get3A_181, %get3A_189, %dot_general3A_190 {dimension_numbers = #tpu.dot_dimension_numbers<[1], [0], [0], [1], [0, 0, 1, 1], [], []>, transpose_lhs_hint = false} : vector<256x128xf32>, vector<128x128xf32>, vector<256x128xf32> -> vector<256x128xf32>
    %add3A_192 = arith.addf %add3A_176, %dot_general3A_191 : vector<256x128xf32>
    %get3A_193 = arith.constant 12 : index
    %get3A_194 = arith.constant 0 : index
    %get3A_195 = arith.constant 0 : index
    %get3A_196 = vector.load %arg1[%get3A_193, %get3A_194, %get3A_195] : memref<28x256x128xf32, #tpu.memory_space<vmem>>, vector<1x256x128xf32>
    %get3A_197 = vector.shape_cast %get3A_196 : vector<1x256x128xf32> to vector<256x128xf32>
    %add3A_198 = arith.addf %add3A_182, %get3A_197 : vector<256x128xf32>
    %mul3A_199 = arith.mulf %get3A_197, %get3A_197 : vector<256x128xf32>
    %add3A_200 = arith.addf %add3A_184, %mul3A_199 : vector<256x128xf32>
    %get3A_201 = arith.constant 12 : index
    %get3A_202 = arith.constant 0 : index
    %get3A_203 = arith.constant 0 : index
    %get3A_204 = vector.load %arg2[%get3A_201, %get3A_202, %get3A_203] : memref<28x128x128xf32, #tpu.memory_space<vmem>>, vector<1x128x128xf32>
    %get3A_205 = vector.shape_cast %get3A_204 : vector<1x128x128xf32> to vector<128x128xf32>
    %dot_general3A_206 = arith.constant dense<0.000000e+00> : vector<256x128xf32>
    %dot_general3A_207 = tpu.matmul %get3A_197, %get3A_205, %dot_general3A_206 {dimension_numbers = #tpu.dot_dimension_numbers<[1], [0], [0], [1], [0, 0, 1, 1], [], []>, transpose_lhs_hint = false} : vector<256x128xf32>, vector<128x128xf32>, vector<256x128xf32> -> vector<256x128xf32>
    %add3A_208 = arith.addf %add3A_192, %dot_general3A_207 : vector<256x128xf32>
    %get3A_209 = arith.constant 13 : index
    %get3A_210 = arith.constant 0 : index
    %get3A_211 = arith.constant 0 : index
    %get3A_212 = vector.load %arg1[%get3A_209, %get3A_210, %get3A_211] : memref<28x256x128xf32, #tpu.memory_space<vmem>>, vector<1x256x128xf32>
    %get3A_213 = vector.shape_cast %get3A_212 : vector<1x256x128xf32> to vector<256x128xf32>
    %add3A_214 = arith.addf %add3A_198, %get3A_213 : vector<256x128xf32>
    %mul3A_215 = arith.mulf %get3A_213, %get3A_213 : vector<256x128xf32>
    %add3A_216 = arith.addf %add3A_200, %mul3A_215 : vector<256x128xf32>
    %get3A_217 = arith.constant 13 : index
    %get3A_218 = arith.constant 0 : index
    %get3A_219 = arith.constant 0 : index
    %get3A_220 = vector.load %arg2[%get3A_217, %get3A_218, %get3A_219] : memref<28x128x128xf32, #tpu.memory_space<vmem>>, vector<1x128x128xf32>
    %get3A_221 = vector.shape_cast %get3A_220 : vector<1x128x128xf32> to vector<128x128xf32>
    %dot_general3A_222 = arith.constant dense<0.000000e+00> : vector<256x128xf32>
    %dot_general3A_223 = tpu.matmul %get3A_213, %get3A_221, %dot_general3A_222 {dimension_numbers = #tpu.dot_dimension_numbers<[1], [0], [0], [1], [0, 0, 1, 1], [], []>, transpose_lhs_hint = false} : vector<256x128xf32>, vector<128x128xf32>, vector<256x128xf32> -> vector<256x128xf32>
    %add3A_224 = arith.addf %add3A_208, %dot_general3A_223 : vector<256x128xf32>
    %get3A_225 = arith.constant 14 : index
    %get3A_226 = arith.constant 0 : index
    %get3A_227 = arith.constant 0 : index
    %get3A_228 = vector.load %arg1[%get3A_225, %get3A_226, %get3A_227] : memref<28x256x128xf32, #tpu.memory_space<vmem>>, vector<1x256x128xf32>
    %get3A_229 = vector.shape_cast %get3A_228 : vector<1x256x128xf32> to vector<256x128xf32>
    %add3A_230 = arith.addf %add3A_214, %get3A_229 : vector<256x128xf32>
    %mul3A_231 = arith.mulf %get3A_229, %get3A_229 : vector<256x128xf32>
    %add3A_232 = arith.addf %add3A_216, %mul3A_231 : vector<256x128xf32>
    %get3A_233 = arith.constant 14 : index
    %get3A_234 = arith.constant 0 : index
    %get3A_235 = arith.constant 0 : index
    %get3A_236 = vector.load %arg2[%get3A_233, %get3A_234, %get3A_235] : memref<28x128x128xf32, #tpu.memory_space<vmem>>, vector<1x128x128xf32>
    %get3A_237 = vector.shape_cast %get3A_236 : vector<1x128x128xf32> to vector<128x128xf32>
    %dot_general3A_238 = arith.constant dense<0.000000e+00> : vector<256x128xf32>
    %dot_general3A_239 = tpu.matmul %get3A_229, %get3A_237, %dot_general3A_238 {dimension_numbers = #tpu.dot_dimension_numbers<[1], [0], [0], [1], [0, 0, 1, 1], [], []>, transpose_lhs_hint = false} : vector<256x128xf32>, vector<128x128xf32>, vector<256x128xf32> -> vector<256x128xf32>
    %add3A_240 = arith.addf %add3A_224, %dot_general3A_239 : vector<256x128xf32>
    %get3A_241 = arith.constant 15 : index
    %get3A_242 = arith.constant 0 : index
    %get3A_243 = arith.constant 0 : index
    %get3A_244 = vector.load %arg1[%get3A_241, %get3A_242, %get3A_243] : memref<28x256x128xf32, #tpu.memory_space<vmem>>, vector<1x256x128xf32>
    %get3A_245 = vector.shape_cast %get3A_244 : vector<1x256x128xf32> to vector<256x128xf32>
    %add3A_246 = arith.addf %add3A_230, %get3A_245 : vector<256x128xf32>
    %mul3A_247 = arith.mulf %get3A_245, %get3A_245 : vector<256x128xf32>
    %add3A_248 = arith.addf %add3A_232, %mul3A_247 : vector<256x128xf32>
    %get3A_249 = arith.constant 15 : index
    %get3A_250 = arith.constant 0 : index
    %get3A_251 = arith.constant 0 : index
    %get3A_252 = vector.load %arg2[%get3A_249, %get3A_250, %get3A_251] : memref<28x128x128xf32, #tpu.memory_space<vmem>>, vector<1x128x128xf32>
    %get3A_253 = vector.shape_cast %get3A_252 : vector<1x128x128xf32> to vector<128x128xf32>
    %dot_general3A_254 = arith.constant dense<0.000000e+00> : vector<256x128xf32>
    %dot_general3A_255 = tpu.matmul %get3A_245, %get3A_253, %dot_general3A_254 {dimension_numbers = #tpu.dot_dimension_numbers<[1], [0], [0], [1], [0, 0, 1, 1], [], []>, transpose_lhs_hint = false} : vector<256x128xf32>, vector<128x128xf32>, vector<256x128xf32> -> vector<256x128xf32>
    %add3A_256 = arith.addf %add3A_240, %dot_general3A_255 : vector<256x128xf32>
    %get3A_257 = arith.constant 16 : index
    %get3A_258 = arith.constant 0 : index
    %get3A_259 = arith.constant 0 : index
    %get3A_260 = vector.load %arg1[%get3A_257, %get3A_258, %get3A_259] : memref<28x256x128xf32, #tpu.memory_space<vmem>>, vector<1x256x128xf32>
    %get3A_261 = vector.shape_cast %get3A_260 : vector<1x256x128xf32> to vector<256x128xf32>
    %add3A_262 = arith.addf %add3A_246, %get3A_261 : vector<256x128xf32>
    %mul3A_263 = arith.mulf %get3A_261, %get3A_261 : vector<256x128xf32>
    %add3A_264 = arith.addf %add3A_248, %mul3A_263 : vector<256x128xf32>
    %get3A_265 = arith.constant 16 : index
    %get3A_266 = arith.constant 0 : index
    %get3A_267 = arith.constant 0 : index
    %get3A_268 = vector.load %arg2[%get3A_265, %get3A_266, %get3A_267] : memref<28x128x128xf32, #tpu.memory_space<vmem>>, vector<1x128x128xf32>
    %get3A_269 = vector.shape_cast %get3A_268 : vector<1x128x128xf32> to vector<128x128xf32>
    %dot_general3A_270 = arith.constant dense<0.000000e+00> : vector<256x128xf32>
    %dot_general3A_271 = tpu.matmul %get3A_261, %get3A_269, %dot_general3A_270 {dimension_numbers = #tpu.dot_dimension_numbers<[1], [0], [0], [1], [0, 0, 1, 1], [], []>, transpose_lhs_hint = false} : vector<256x128xf32>, vector<128x128xf32>, vector<256x128xf32> -> vector<256x128xf32>
    %add3A_272 = arith.addf %add3A_256, %dot_general3A_271 : vector<256x128xf32>
    %get3A_273 = arith.constant 17 : index
    %get3A_274 = arith.constant 0 : index
    %get3A_275 = arith.constant 0 : index
    %get3A_276 = vector.load %arg1[%get3A_273, %get3A_274, %get3A_275] : memref<28x256x128xf32, #tpu.memory_space<vmem>>, vector<1x256x128xf32>
    %get3A_277 = vector.shape_cast %get3A_276 : vector<1x256x128xf32> to vector<256x128xf32>
    %add3A_278 = arith.addf %add3A_262, %get3A_277 : vector<256x128xf32>
    %mul3A_279 = arith.mulf %get3A_277, %get3A_277 : vector<256x128xf32>
    %add3A_280 = arith.addf %add3A_264, %mul3A_279 : vector<256x128xf32>
    %get3A_281 = arith.constant 17 : index
    %get3A_282 = arith.constant 0 : index
    %get3A_283 = arith.constant 0 : index
    %get3A_284 = vector.load %arg2[%get3A_281, %get3A_282, %get3A_283] : memref<28x128x128xf32, #tpu.memory_space<vmem>>, vector<1x128x128xf32>
    %get3A_285 = vector.shape_cast %get3A_284 : vector<1x128x128xf32> to vector<128x128xf32>
    %dot_general3A_286 = arith.constant dense<0.000000e+00> : vector<256x128xf32>
    %dot_general3A_287 = tpu.matmul %get3A_277, %get3A_285, %dot_general3A_286 {dimension_numbers = #tpu.dot_dimension_numbers<[1], [0], [0], [1], [0, 0, 1, 1], [], []>, transpose_lhs_hint = false} : vector<256x128xf32>, vector<128x128xf32>, vector<256x128xf32> -> vector<256x128xf32>
    %add3A_288 = arith.addf %add3A_272, %dot_general3A_287 : vector<256x128xf32>
    %get3A_289 = arith.constant 18 : index
    %get3A_290 = arith.constant 0 : index
    %get3A_291 = arith.constant 0 : index
    %get3A_292 = vector.load %arg1[%get3A_289, %get3A_290, %get3A_291] : memref<28x256x128xf32, #tpu.memory_space<vmem>>, vector<1x256x128xf32>
    %get3A_293 = vector.shape_cast %get3A_292 : vector<1x256x128xf32> to vector<256x128xf32>
    %add3A_294 = arith.addf %add3A_278, %get3A_293 : vector<256x128xf32>
    %mul3A_295 = arith.mulf %get3A_293, %get3A_293 : vector<256x128xf32>
    %add3A_296 = arith.addf %add3A_280, %mul3A_295 : vector<256x128xf32>
    %get3A_297 = arith.constant 18 : index
    %get3A_298 = arith.constant 0 : index
    %get3A_299 = arith.constant 0 : index
    %get3A_300 = vector.load %arg2[%get3A_297, %get3A_298, %get3A_299] : memref<28x128x128xf32, #tpu.memory_space<vmem>>, vector<1x128x128xf32>
    %get3A_301 = vector.shape_cast %get3A_300 : vector<1x128x128xf32> to vector<128x128xf32>
    %dot_general3A_302 = arith.constant dense<0.000000e+00> : vector<256x128xf32>
    %dot_general3A_303 = tpu.matmul %get3A_293, %get3A_301, %dot_general3A_302 {dimension_numbers = #tpu.dot_dimension_numbers<[1], [0], [0], [1], [0, 0, 1, 1], [], []>, transpose_lhs_hint = false} : vector<256x128xf32>, vector<128x128xf32>, vector<256x128xf32> -> vector<256x128xf32>
    %add3A_304 = arith.addf %add3A_288, %dot_general3A_303 : vector<256x128xf32>
    %get3A_305 = arith.constant 19 : index
    %get3A_306 = arith.constant 0 : index
    %get3A_307 = arith.constant 0 : index
    %get3A_308 = vector.load %arg1[%get3A_305, %get3A_306, %get3A_307] : memref<28x256x128xf32, #tpu.memory_space<vmem>>, vector<1x256x128xf32>
    %get3A_309 = vector.shape_cast %get3A_308 : vector<1x256x128xf32> to vector<256x128xf32>
    %add3A_310 = arith.addf %add3A_294, %get3A_309 : vector<256x128xf32>
    %mul3A_311 = arith.mulf %get3A_309, %get3A_309 : vector<256x128xf32>
    %add3A_312 = arith.addf %add3A_296, %mul3A_311 : vector<256x128xf32>
    %get3A_313 = arith.constant 19 : index
    %get3A_314 = arith.constant 0 : index
    %get3A_315 = arith.constant 0 : index
    %get3A_316 = vector.load %arg2[%get3A_313, %get3A_314, %get3A_315] : memref<28x128x128xf32, #tpu.memory_space<vmem>>, vector<1x128x128xf32>
    %get3A_317 = vector.shape_cast %get3A_316 : vector<1x128x128xf32> to vector<128x128xf32>
    %dot_general3A_318 = arith.constant dense<0.000000e+00> : vector<256x128xf32>
    %dot_general3A_319 = tpu.matmul %get3A_309, %get3A_317, %dot_general3A_318 {dimension_numbers = #tpu.dot_dimension_numbers<[1], [0], [0], [1], [0, 0, 1, 1], [], []>, transpose_lhs_hint = false} : vector<256x128xf32>, vector<128x128xf32>, vector<256x128xf32> -> vector<256x128xf32>
    %add3A_320 = arith.addf %add3A_304, %dot_general3A_319 : vector<256x128xf32>
    %get3A_321 = arith.constant 20 : index
    %get3A_322 = arith.constant 0 : index
    %get3A_323 = arith.constant 0 : index
    %get3A_324 = vector.load %arg1[%get3A_321, %get3A_322, %get3A_323] : memref<28x256x128xf32, #tpu.memory_space<vmem>>, vector<1x256x128xf32>
    %get3A_325 = vector.shape_cast %get3A_324 : vector<1x256x128xf32> to vector<256x128xf32>
    %add3A_326 = arith.addf %add3A_310, %get3A_325 : vector<256x128xf32>
    %mul3A_327 = arith.mulf %get3A_325, %get3A_325 : vector<256x128xf32>
    %add3A_328 = arith.addf %add3A_312, %mul3A_327 : vector<256x128xf32>
    %get3A_329 = arith.constant 20 : index
    %get3A_330 = arith.constant 0 : index
    %get3A_331 = arith.constant 0 : index
    %get3A_332 = vector.load %arg2[%get3A_329, %get3A_330, %get3A_331] : memref<28x128x128xf32, #tpu.memory_space<vmem>>, vector<1x128x128xf32>
    %get3A_333 = vector.shape_cast %get3A_332 : vector<1x128x128xf32> to vector<128x128xf32>
    %dot_general3A_334 = arith.constant dense<0.000000e+00> : vector<256x128xf32>
    %dot_general3A_335 = tpu.matmul %get3A_325, %get3A_333, %dot_general3A_334 {dimension_numbers = #tpu.dot_dimension_numbers<[1], [0], [0], [1], [0, 0, 1, 1], [], []>, transpose_lhs_hint = false} : vector<256x128xf32>, vector<128x128xf32>, vector<256x128xf32> -> vector<256x128xf32>
    %add3A_336 = arith.addf %add3A_320, %dot_general3A_335 : vector<256x128xf32>
    %get3A_337 = arith.constant 21 : index
    %get3A_338 = arith.constant 0 : index
    %get3A_339 = arith.constant 0 : index
    %get3A_340 = vector.load %arg1[%get3A_337, %get3A_338, %get3A_339] : memref<28x256x128xf32, #tpu.memory_space<vmem>>, vector<1x256x128xf32>
    %get3A_341 = vector.shape_cast %get3A_340 : vector<1x256x128xf32> to vector<256x128xf32>
    %add3A_342 = arith.addf %add3A_326, %get3A_341 : vector<256x128xf32>
    %mul3A_343 = arith.mulf %get3A_341, %get3A_341 : vector<256x128xf32>
    %add3A_344 = arith.addf %add3A_328, %mul3A_343 : vector<256x128xf32>
    %get3A_345 = arith.constant 21 : index
    %get3A_346 = arith.constant 0 : index
    %get3A_347 = arith.constant 0 : index
    %get3A_348 = vector.load %arg2[%get3A_345, %get3A_346, %get3A_347] : memref<28x128x128xf32, #tpu.memory_space<vmem>>, vector<1x128x128xf32>
    %get3A_349 = vector.shape_cast %get3A_348 : vector<1x128x128xf32> to vector<128x128xf32>
    %dot_general3A_350 = arith.constant dense<0.000000e+00> : vector<256x128xf32>
    %dot_general3A_351 = tpu.matmul %get3A_341, %get3A_349, %dot_general3A_350 {dimension_numbers = #tpu.dot_dimension_numbers<[1], [0], [0], [1], [0, 0, 1, 1], [], []>, transpose_lhs_hint = false} : vector<256x128xf32>, vector<128x128xf32>, vector<256x128xf32> -> vector<256x128xf32>
    %add3A_352 = arith.addf %add3A_336, %dot_general3A_351 : vector<256x128xf32>
    %get3A_353 = arith.constant 22 : index
    %get3A_354 = arith.constant 0 : index
    %get3A_355 = arith.constant 0 : index
    %get3A_356 = vector.load %arg1[%get3A_353, %get3A_354, %get3A_355] : memref<28x256x128xf32, #tpu.memory_space<vmem>>, vector<1x256x128xf32>
    %get3A_357 = vector.shape_cast %get3A_356 : vector<1x256x128xf32> to vector<256x128xf32>
    %add3A_358 = arith.addf %add3A_342, %get3A_357 : vector<256x128xf32>
    %mul3A_359 = arith.mulf %get3A_357, %get3A_357 : vector<256x128xf32>
    %add3A_360 = arith.addf %add3A_344, %mul3A_359 : vector<256x128xf32>
    %get3A_361 = arith.constant 22 : index
    %get3A_362 = arith.constant 0 : index
    %get3A_363 = arith.constant 0 : index
    %get3A_364 = vector.load %arg2[%get3A_361, %get3A_362, %get3A_363] : memref<28x128x128xf32, #tpu.memory_space<vmem>>, vector<1x128x128xf32>
    %get3A_365 = vector.shape_cast %get3A_364 : vector<1x128x128xf32> to vector<128x128xf32>
    %dot_general3A_366 = arith.constant dense<0.000000e+00> : vector<256x128xf32>
    %dot_general3A_367 = tpu.matmul %get3A_357, %get3A_365, %dot_general3A_366 {dimension_numbers = #tpu.dot_dimension_numbers<[1], [0], [0], [1], [0, 0, 1, 1], [], []>, transpose_lhs_hint = false} : vector<256x128xf32>, vector<128x128xf32>, vector<256x128xf32> -> vector<256x128xf32>
    %add3A_368 = arith.addf %add3A_352, %dot_general3A_367 : vector<256x128xf32>
    %get3A_369 = arith.constant 23 : index
    %get3A_370 = arith.constant 0 : index
    %get3A_371 = arith.constant 0 : index
    %get3A_372 = vector.load %arg1[%get3A_369, %get3A_370, %get3A_371] : memref<28x256x128xf32, #tpu.memory_space<vmem>>, vector<1x256x128xf32>
    %get3A_373 = vector.shape_cast %get3A_372 : vector<1x256x128xf32> to vector<256x128xf32>
    %add3A_374 = arith.addf %add3A_358, %get3A_373 : vector<256x128xf32>
    %mul3A_375 = arith.mulf %get3A_373, %get3A_373 : vector<256x128xf32>
    %add3A_376 = arith.addf %add3A_360, %mul3A_375 : vector<256x128xf32>
    %get3A_377 = arith.constant 23 : index
    %get3A_378 = arith.constant 0 : index
    %get3A_379 = arith.constant 0 : index
    %get3A_380 = vector.load %arg2[%get3A_377, %get3A_378, %get3A_379] : memref<28x128x128xf32, #tpu.memory_space<vmem>>, vector<1x128x128xf32>
    %get3A_381 = vector.shape_cast %get3A_380 : vector<1x128x128xf32> to vector<128x128xf32>
    %dot_general3A_382 = arith.constant dense<0.000000e+00> : vector<256x128xf32>
    %dot_general3A_383 = tpu.matmul %get3A_373, %get3A_381, %dot_general3A_382 {dimension_numbers = #tpu.dot_dimension_numbers<[1], [0], [0], [1], [0, 0, 1, 1], [], []>, transpose_lhs_hint = false} : vector<256x128xf32>, vector<128x128xf32>, vector<256x128xf32> -> vector<256x128xf32>
    %add3A_384 = arith.addf %add3A_368, %dot_general3A_383 : vector<256x128xf32>
    %get3A_385 = arith.constant 24 : index
    %get3A_386 = arith.constant 0 : index
    %get3A_387 = arith.constant 0 : index
    %get3A_388 = vector.load %arg1[%get3A_385, %get3A_386, %get3A_387] : memref<28x256x128xf32, #tpu.memory_space<vmem>>, vector<1x256x128xf32>
    %get3A_389 = vector.shape_cast %get3A_388 : vector<1x256x128xf32> to vector<256x128xf32>
    %add3A_390 = arith.addf %add3A_374, %get3A_389 : vector<256x128xf32>
    %mul3A_391 = arith.mulf %get3A_389, %get3A_389 : vector<256x128xf32>
    %add3A_392 = arith.addf %add3A_376, %mul3A_391 : vector<256x128xf32>
    %get3A_393 = arith.constant 24 : index
    %get3A_394 = arith.constant 0 : index
    %get3A_395 = arith.constant 0 : index
    %get3A_396 = vector.load %arg2[%get3A_393, %get3A_394, %get3A_395] : memref<28x128x128xf32, #tpu.memory_space<vmem>>, vector<1x128x128xf32>
    %get3A_397 = vector.shape_cast %get3A_396 : vector<1x128x128xf32> to vector<128x128xf32>
    %dot_general3A_398 = arith.constant dense<0.000000e+00> : vector<256x128xf32>
    %dot_general3A_399 = tpu.matmul %get3A_389, %get3A_397, %dot_general3A_398 {dimension_numbers = #tpu.dot_dimension_numbers<[1], [0], [0], [1], [0, 0, 1, 1], [], []>, transpose_lhs_hint = false} : vector<256x128xf32>, vector<128x128xf32>, vector<256x128xf32> -> vector<256x128xf32>
    %add3A_400 = arith.addf %add3A_384, %dot_general3A_399 : vector<256x128xf32>
    %get3A_401 = arith.constant 25 : index
    %get3A_402 = arith.constant 0 : index
    %get3A_403 = arith.constant 0 : index
    %get3A_404 = vector.load %arg1[%get3A_401, %get3A_402, %get3A_403] : memref<28x256x128xf32, #tpu.memory_space<vmem>>, vector<1x256x128xf32>
    %get3A_405 = vector.shape_cast %get3A_404 : vector<1x256x128xf32> to vector<256x128xf32>
    %add3A_406 = arith.addf %add3A_390, %get3A_405 : vector<256x128xf32>
    %mul3A_407 = arith.mulf %get3A_405, %get3A_405 : vector<256x128xf32>
    %add3A_408 = arith.addf %add3A_392, %mul3A_407 : vector<256x128xf32>
    %get3A_409 = arith.constant 25 : index
    %get3A_410 = arith.constant 0 : index
    %get3A_411 = arith.constant 0 : index
    %get3A_412 = vector.load %arg2[%get3A_409, %get3A_410, %get3A_411] : memref<28x128x128xf32, #tpu.memory_space<vmem>>, vector<1x128x128xf32>
    %get3A_413 = vector.shape_cast %get3A_412 : vector<1x128x128xf32> to vector<128x128xf32>
    %dot_general3A_414 = arith.constant dense<0.000000e+00> : vector<256x128xf32>
    %dot_general3A_415 = tpu.matmul %get3A_405, %get3A_413, %dot_general3A_414 {dimension_numbers = #tpu.dot_dimension_numbers<[1], [0], [0], [1], [0, 0, 1, 1], [], []>, transpose_lhs_hint = false} : vector<256x128xf32>, vector<128x128xf32>, vector<256x128xf32> -> vector<256x128xf32>
    %add3A_416 = arith.addf %add3A_400, %dot_general3A_415 : vector<256x128xf32>
    %get3A_417 = arith.constant 26 : index
    %get3A_418 = arith.constant 0 : index
    %get3A_419 = arith.constant 0 : index
    %get3A_420 = vector.load %arg1[%get3A_417, %get3A_418, %get3A_419] : memref<28x256x128xf32, #tpu.memory_space<vmem>>, vector<1x256x128xf32>
    %get3A_421 = vector.shape_cast %get3A_420 : vector<1x256x128xf32> to vector<256x128xf32>
    %add3A_422 = arith.addf %add3A_406, %get3A_421 : vector<256x128xf32>
    %mul3A_423 = arith.mulf %get3A_421, %get3A_421 : vector<256x128xf32>
    %add3A_424 = arith.addf %add3A_408, %mul3A_423 : vector<256x128xf32>
    %get3A_425 = arith.constant 26 : index
    %get3A_426 = arith.constant 0 : index
    %get3A_427 = arith.constant 0 : index
    %get3A_428 = vector.load %arg2[%get3A_425, %get3A_426, %get3A_427] : memref<28x128x128xf32, #tpu.memory_space<vmem>>, vector<1x128x128xf32>
    %get3A_429 = vector.shape_cast %get3A_428 : vector<1x128x128xf32> to vector<128x128xf32>
    %dot_general3A_430 = arith.constant dense<0.000000e+00> : vector<256x128xf32>
    %dot_general3A_431 = tpu.matmul %get3A_421, %get3A_429, %dot_general3A_430 {dimension_numbers = #tpu.dot_dimension_numbers<[1], [0], [0], [1], [0, 0, 1, 1], [], []>, transpose_lhs_hint = false} : vector<256x128xf32>, vector<128x128xf32>, vector<256x128xf32> -> vector<256x128xf32>
    %add3A_432 = arith.addf %add3A_416, %dot_general3A_431 : vector<256x128xf32>
    %get3A_433 = arith.constant 27 : index
    %get3A_434 = arith.constant 0 : index
    %get3A_435 = arith.constant 0 : index
    %get3A_436 = vector.load %arg1[%get3A_433, %get3A_434, %get3A_435] : memref<28x256x128xf32, #tpu.memory_space<vmem>>, vector<1x256x128xf32>
    %get3A_437 = vector.shape_cast %get3A_436 : vector<1x256x128xf32> to vector<256x128xf32>
    %add3A_438 = arith.addf %add3A_422, %get3A_437 : vector<256x128xf32>
    %mul3A_439 = arith.mulf %get3A_437, %get3A_437 : vector<256x128xf32>
    %add3A_440 = arith.addf %add3A_424, %mul3A_439 : vector<256x128xf32>
    %get3A_441 = arith.constant 27 : index
    %get3A_442 = arith.constant 0 : index
    %get3A_443 = arith.constant 0 : index
    %get3A_444 = vector.load %arg2[%get3A_441, %get3A_442, %get3A_443] : memref<28x128x128xf32, #tpu.memory_space<vmem>>, vector<1x128x128xf32>
    %get3A_445 = vector.shape_cast %get3A_444 : vector<1x128x128xf32> to vector<128x128xf32>
    %dot_general3A_446 = arith.constant dense<0.000000e+00> : vector<256x128xf32>
    %dot_general3A_447 = tpu.matmul %get3A_437, %get3A_445, %dot_general3A_446 {dimension_numbers = #tpu.dot_dimension_numbers<[1], [0], [0], [1], [0, 0, 1, 1], [], []>, transpose_lhs_hint = false} : vector<256x128xf32>, vector<128x128xf32>, vector<256x128xf32> -> vector<256x128xf32>
    %add3A_448 = arith.addf %add3A_432, %dot_general3A_447 : vector<256x128xf32>
    %get3A_449 = arith.constant 0 : index
    %get3A_450 = arith.constant 0 : index
    %get3A_451 = vector.load %arg10[%get3A_449, %get3A_450] : memref<128x8xf32, #tpu.memory_space<vmem>>, vector<128x8xf32>
    %dot_general3A_452 = arith.constant dense<0.000000e+00> : vector<256x8xf32>
    %dot_general3A_453 = tpu.matmul %add3A_438, %get3A_451, %dot_general3A_452 {dimension_numbers = #tpu.dot_dimension_numbers<[1], [0], [0], [1], [0, 0, 1, 1], [], []>, transpose_lhs_hint = false} : vector<256x128xf32>, vector<128x8xf32>, vector<256x8xf32> -> vector<256x8xf32>
    %get3A_454 = arith.constant 0 : index
    %get3A_455 = arith.constant 0 : index
    %get3A_456 = vector.load %arg10[%get3A_454, %get3A_455] : memref<128x8xf32, #tpu.memory_space<vmem>>, vector<128x8xf32>
    %dot_general3A_457 = arith.constant dense<0.000000e+00> : vector<256x8xf32>
    %dot_general3A_458 = tpu.matmul %add3A_440, %get3A_456, %dot_general3A_457 {dimension_numbers = #tpu.dot_dimension_numbers<[1], [0], [0], [1], [0, 0, 1, 1], [], []>, transpose_lhs_hint = false} : vector<256x128xf32>, vector<128x8xf32>, vector<256x8xf32> -> vector<256x8xf32>
    %mul3A_459 = arith.mulf %dot_general3A_453, %dot_general3A_453 : vector<256x8xf32>
    %sub3A = arith.subf %mul3A_459, %dot_general3A_458 : vector<256x8xf32>
    %mul3A_460 = arith.constant 5.000000e-01 : f32
    %mul3A_461 = vector.broadcast %mul3A_460 : f32 to vector<256x8xf32>
    %mul3A_462 = arith.mulf %mul3A_461, %sub3A : vector<256x8xf32>
    %get3A_463 = arith.constant 0 : index
    %get3A_464 = arith.constant 0 : index
    %get3A_465 = vector.load %arg3[%get3A_463, %get3A_464] : memref<1x128xf32, #tpu.memory_space<vmem>>, vector<1x128xf32>
    %add3A_466 = vector.broadcast %get3A_465 : vector<1x128xf32> to vector<256x128xf32>
    %add3A_467 = arith.addf %add3A_448, %add3A_466 : vector<256x128xf32>
    %max3A = arith.constant 0.000000e+00 : f32
    %max3A_468 = vector.broadcast %max3A : f32 to vector<256x128xf32>
    %max3A_469 = arith.maximumf %add3A_467, %max3A_468 : vector<256x128xf32>
    %get3A_470 = arith.constant 0 : index
    %get3A_471 = arith.constant 0 : index
    %get3A_472 = vector.load %arg4[%get3A_470, %get3A_471] : memref<128x128xf32, #tpu.memory_space<vmem>>, vector<128x128xf32>
    %dot_general3A_473 = arith.constant dense<0.000000e+00> : vector<256x128xf32>
    %dot_general3A_474 = tpu.matmul %max3A_469, %get3A_472, %dot_general3A_473 {dimension_numbers = #tpu.dot_dimension_numbers<[1], [0], [0], [1], [0, 0, 1, 1], [], []>, transpose_lhs_hint = false} : vector<256x128xf32>, vector<128x128xf32>, vector<256x128xf32> -> vector<256x128xf32>
    %get3A_475 = arith.constant 0 : index
    %get3A_476 = arith.constant 0 : index
    %get3A_477 = vector.load %arg5[%get3A_475, %get3A_476] : memref<1x128xf32, #tpu.memory_space<vmem>>, vector<1x128xf32>
    %add3A_478 = vector.broadcast %get3A_477 : vector<1x128xf32> to vector<256x128xf32>
    %add3A_479 = arith.addf %dot_general3A_474, %add3A_478 : vector<256x128xf32>
    %max3A_480 = arith.constant 0.000000e+00 : f32
    %max3A_481 = vector.broadcast %max3A_480 : f32 to vector<256x128xf32>
    %max3A_482 = arith.maximumf %add3A_479, %max3A_481 : vector<256x128xf32>
    %get3A_483 = arith.constant 0 : index
    %get3A_484 = arith.constant 0 : index
    %get3A_485 = vector.load %arg6[%get3A_483, %get3A_484] : memref<128x128xf32, #tpu.memory_space<vmem>>, vector<128x128xf32>
    %dot_general3A_486 = arith.constant dense<0.000000e+00> : vector<256x128xf32>
    %dot_general3A_487 = tpu.matmul %max3A_482, %get3A_485, %dot_general3A_486 {dimension_numbers = #tpu.dot_dimension_numbers<[1], [0], [0], [1], [0, 0, 1, 1], [], []>, transpose_lhs_hint = false} : vector<256x128xf32>, vector<128x128xf32>, vector<256x128xf32> -> vector<256x128xf32>
    %get3A_488 = arith.constant 0 : index
    %get3A_489 = arith.constant 0 : index
    %get3A_490 = vector.load %arg7[%get3A_488, %get3A_489] : memref<1x128xf32, #tpu.memory_space<vmem>>, vector<1x128xf32>
    %add3A_491 = vector.broadcast %get3A_490 : vector<1x128xf32> to vector<256x128xf32>
    %add3A_492 = arith.addf %dot_general3A_487, %add3A_491 : vector<256x128xf32>
    %max3A_493 = arith.constant 0.000000e+00 : f32
    %max3A_494 = vector.broadcast %max3A_493 : f32 to vector<256x128xf32>
    %max3A_495 = arith.maximumf %add3A_492, %max3A_494 : vector<256x128xf32>
    %get3A_496 = arith.constant 0 : index
    %get3A_497 = arith.constant 0 : index
    %get3A_498 = vector.load %arg8[%get3A_496, %get3A_497] : memref<128x8xf32, #tpu.memory_space<vmem>>, vector<128x8xf32>
    %dot_general3A_499 = arith.constant dense<0.000000e+00> : vector<256x8xf32>
    %dot_general3A_500 = tpu.matmul %max3A_495, %get3A_498, %dot_general3A_499 {dimension_numbers = #tpu.dot_dimension_numbers<[1], [0], [0], [1], [0, 0, 1, 1], [], []>, transpose_lhs_hint = false} : vector<256x128xf32>, vector<128x8xf32>, vector<256x8xf32> -> vector<256x8xf32>
    %get3A_501 = arith.constant 0 : index
    %get3A_502 = arith.constant 0 : index
    %get3A_503 = vector.load %arg9[%get3A_501, %get3A_502] : memref<1x1xf32, #tpu.memory_space<vmem>>, vector<1x1xf32>
    %add3A_504 = vector.broadcast %get3A_503 : vector<1x1xf32> to vector<256x8xf32>
    %add3A_505 = arith.addf %dot_general3A_500, %add3A_504 : vector<256x8xf32>
    %add3A_506 = arith.addf %add3A_505, %mul3A_462 : vector<256x8xf32>
    %neg3A = arith.constant 0.000000e+00 : f32
    %neg3A_507 = vector.broadcast %neg3A : f32 to vector<256x8xf32>
    %neg3A_508 = arith.subf %neg3A_507, %add3A_506 : vector<256x8xf32>
    %exp3A = math.exp %neg3A_508 : vector<256x8xf32>
    %add3A_509 = arith.constant 1.000000e+00 : f32
    %add3A_510 = vector.broadcast %add3A_509 : f32 to vector<256x8xf32>
    %add3A_511 = arith.addf %add3A_510, %exp3A : vector<256x8xf32>
    %div3A = arith.constant 1.000000e+00 : f32
    %div3A_512 = vector.broadcast %div3A : f32 to vector<256x8xf32>
    %div3A_513 = arith.divf %div3A_512, %add3A_511 : vector<256x8xf32>
    %exp3A_514 = math.exp %add3A_506 : vector<256x8xf32>
    %exp3A_515 = math.exp %add3A_506 : vector<256x8xf32>
    %add3A_516 = arith.constant 1.000000e+00 : f32
    %add3A_517 = vector.broadcast %add3A_516 : f32 to vector<256x8xf32>
    %add3A_518 = arith.addf %add3A_517, %exp3A_515 : vector<256x8xf32>
    %div3A_519 = arith.divf %exp3A_514, %add3A_518 : vector<256x8xf32>
    %ge3A = arith.constant 0.000000e+00 : f32
    %ge3A_520 = vector.broadcast %ge3A : f32 to vector<256x8xf32>
    %ge3A_521 = arith.cmpf oge, %add3A_506, %ge3A_520 : vector<256x8xf32>
    %select_n3A = arith.select %ge3A_521, %div3A_513, %div3A_519 : vector<256x8xi1>, vector<256x8xf32>
    %swap3A = arith.constant 0 : index
    %swap3A_522 = arith.constant 0 : index
    %swap3A_523 = vector.load %arg11[%swap3A, %swap3A_522] : memref<256x8xf32, #tpu.memory_space<vmem>>, vector<256x8xf32>
    tpu.vector_store %arg11[%swap3A, %swap3A_522], %select_n3A {strides = array<i32>} : memref<256x8xf32, #tpu.memory_space<vmem>>, vector<256x8xf32>,
    return
  }
  func.func @transform_0(%arg0: i32) -> (i32, i32, i32) {
    %c0_i32 = arith.constant 0 : i32
    %c0_i32_0 = arith.constant 0 : i32
    %c0_i32_1 = arith.constant 0 : i32
    return %c0_i32, %arg0, %c0_i32_0 : i32, i32, i32
  }
  func.func @transform_1(%arg0: i32) -> (i32, i32, i32) {
    %c0_i32 = arith.constant 0 : i32
    %c0_i32_0 = arith.constant 0 : i32
    %c0_i32_1 = arith.constant 0 : i32
    %c0_i32_2 = arith.constant 0 : i32
    return %c0_i32, %c0_i32_0, %c0_i32_1 : i32, i32, i32
  }
  func.func @transform_2(%arg0: i32) -> (i32, i32) {
    %c0_i32 = arith.constant 0 : i32
    %c0_i32_0 = arith.constant 0 : i32
    %c0_i32_1 = arith.constant 0 : i32
    return %c0_i32, %c0_i32_0 : i32, i32
  }
  func.func @transform_3(%arg0: i32) -> (i32, i32) {
    %c0_i32 = arith.constant 0 : i32
    %c0_i32_0 = arith.constant 0 : i32
    %c0_i32_1 = arith.constant 0 : i32
    return %c0_i32, %c0_i32_0 : i32, i32
  }
  func.func @transform_4(%arg0: i32) -> (i32, i32) {
    %c0_i32 = arith.constant 0 : i32
    %c0_i32_0 = arith.constant 0 : i32
    %c0_i32_1 = arith.constant 0 : i32
    return %c0_i32, %c0_i32_0 : i32, i32
  }
  func.func @transform_5(%arg0: i32) -> (i32, i32) {
    %c0_i32 = arith.constant 0 : i32
    %c0_i32_0 = arith.constant 0 : i32
    %c0_i32_1 = arith.constant 0 : i32
    return %c0_i32, %c0_i32_0 : i32, i32
  }
  func.func @transform_6(%arg0: i32) -> (i32, i32) {
    %c0_i32 = arith.constant 0 : i32
    %c0_i32_0 = arith.constant 0 : i32
    %c0_i32_1 = arith.constant 0 : i32
    return %c0_i32, %c0_i32_0 : i32, i32
  }
  func.func @transform_7(%arg0: i32) -> (i32, i32) {
    %c0_i32 = arith.constant 0 : i32
    %c0_i32_0 = arith.constant 0 : i32
    %c0_i32_1 = arith.constant 0 : i32
    return %c0_i32, %c0_i32_0 : i32, i32
  }
  func.func @transform_8(%arg0: i32) -> (i32, i32) {
    %c0_i32 = arith.constant 0 : i32
    %c0_i32_0 = arith.constant 0 : i32
    %c0_i32_1 = arith.constant 0 : i32
    return %c0_i32, %c0_i32_0 : i32, i32
  }
  func.func @transform_9(%arg0: i32) -> (i32, i32) {
    %c0_i32 = arith.constant 0 : i32
    %c0_i32_0 = arith.constant 0 : i32
    %c0_i32_1 = arith.constant 0 : i32
    return %c0_i32, %c0_i32_0 : i32, i32
  }
  func.func @transform_10(%arg0: i32) -> (i32, i32) {
    %c0_i32 = arith.constant 0 : i32
    %c0_i32_0 = arith.constant 0 : i32
    return %arg0, %c0_i32 : i32, i32
  }
}

</mosaic_0001>

<sc_bundles>
// kernel: kernel.4.cloned.1.call-start
scs
__scs_entry_jumppad:
0x0: {  	(pc) =	sbr.rel $0x88, $3  }
0x1: {  	(tag) =	ssettag $0x0;
	lr =	simm.s32 $0x1  }
0x2: {  	[smem:$0x3F93] =	sst lr;
	_ =	strace $0xD0000000  }
0x3: {  	_ = 	snop  }
0x4: {  	_ = 	snop  }
0x5: {  	_ = 	snop  }
0x6: {  	_ = 	snop  }
0x7: {  	_ = 	snop  }
__scs_overlays_trampoline_lowered:
0x8: {  	[smem:$0x3FA2] =	sst s0  }
0x9: {  	[smem:$0x3FA3] =	sst s1  }
0xa: {  	[smem:$0x3FA4] =	sst s2  }
0xb: {  	[smem:$0x3FA5] =	sst s3  }
0xc: {  	[smem:$0x3FA6] =	sst s4  }
0xd: {  	[smem:$0x3FA7] =	sst s5  }
0xe: {  	[smem:$0x3FA8] =	sst s6  }
0xf: {  	[smem:$0x3FA9] =	sst s7  }
0x10: {  	[smem:$0x3FAA] =	sst s8  }
0x11: {  	[smem:$0x3FAB] =	sst s9;
	s0 =	simm.s32 @!p0 $0x0  }
0x12: {  	s1 =	sld [smem:$0x3F91];
	s0 =	simm.s32 @p0 $0x1  }
0x13: {  	[smem:$0x3FAC] =	sst s0;
	s0 =	simm.s32 @!p1 $0x0  }
0x14: {  	s2 =	sld [smem:$0x3F90];
	s0 =	simm.s32 @p1 $0x1  }
0x15: {  	[smem:$0x3FAD] =	sst s0;
	s0 =	simm.s32 @!p2 $0x0  }
0x16: {  	s3 =	sld [smem:$0x3FDB];
	s0 =	simm.s32 @p2 $0x1  }
0x17: {  	s4 =	simm.s32 $0x1BF5;
	[smem:$0x3FAF] =	sst s0  }
0x18: {  	s0 =	sld [smem:$0x3F92];
	_ =	swait.ge [sflag:s4], $0x0  }
0x19: {  	s7 =	sld [smem:$0x3F93]  }
0x1a: {  	s8 =	sadd.s32 $0xFFFFE003, lr  }
0x1b: {  	s9 =	sadd.s32 $0xFFFFFEF7, lr;
	s5 =	simm.s32 $0xFFFFFFFF;
	p2 =	slt.u32 s8, $0xFFFFF086  }
0x1c: {  	p1 =	slt.u32 s9, $0xF7A;
	s5 =	simm.s32 @!p2 $0x0  }
0x1d: {  	s5 =	simm.s32 @p1 $0x1;
	p0 =	seq.s32 s7, s2  }
0x1e: {  	s7 =	smul.u32 @!p0 $0xF7A, s2;
	p2 =	seq.s32 @!p0 s5, $0x0  }
0x1f: {  	s9 =	smul.u32 $0xF7A, s1;
	s8 =	simm.s32 @!p0 $0x1BF5;
	p2 =	por !p2, p0  }
0x20: {  	[sflag:s8] =	ssyncset.s32 @!p0 $0xFFFFF086;
	s6 =	sadd.s32 @!p0 s3, s7;
	s7 =	simm.s32 @!p0 $0x108  }
0x21: {  	s3 =	sadd.s32 s3, s9;
	s6 =	sadd.s32 @!p0 $0x88, s6;
	s7 =	simm.s32 @p2 $0x1082  }
0x22: {  	[simem:s7], [sflag:s8] =	dma.local @!p0 [hbm:s6], $0xF7A  }
0x23: {  	s9 =	sor.u32 $0xD0000000, s2;
	s6 =	simm.s32 $0x108;
	_ =	swait.ge @!p0 [sflag:s8], $0x0  }
0x24: {  	s3 =	sadd.s32 $0x88, s3;
	s6 =	simm.s32 @!p1 $0x1082;
	[sflag:s4] =	ssyncset.s32 $0xFFFFF086  }
0x25: {  	[simem:s6], [sflag:s4] =	dma.local [hbm:s3], $0xF7A  }
0x26: {  	[smem:$0x3F93] =	sst s1;
	(tag) =	ssettag s2;
	_ =	strace s9  }
0x27: {  	s1 =	sld [smem:$0x3FA3]  }
0x28: {  	s2 =	sld [smem:$0x3FA4]  }
0x29: {  	s4 =	sld [smem:$0x3FA6]  }
0x2a: {  	p0 =	seq.s32 s5, $0x0;
	s5 =	sld [smem:$0x3FA7]  }
0x2b: {  	s6 =	sld [smem:$0x3FA8]  }
0x2c: {  	s7 =	sld [smem:$0x3FA9]  }
0x2d: {  	s3 =	simm.s32 $0x108;
	s8 =	sld [smem:$0x3FAA]  }
0x2e: {  	s3 =	simm.s32 @!p0 $0x1082;
	s9 =	sld [smem:$0x3FAB]  }
0x2f: {  	lr =	sadd.s32 s0, s3;
	s0 =	sld [smem:$0x3FA2]  }
0x30: {  	s3 =	sld [smem:$0x3FA5]  }
0x31: {  	[smem:$0x3FAE] =	sst s10  }
0x32: {  	s10 =	sld [smem:$0x3FAC];
	_ =	sdelay $0x3  }
0x33: {  	p0 =	seq.s32 s10, $0x1;
	s10 =	sld [smem:$0x3FAE];
	_ =	sdelay $0x3  }
0x34: {  	[smem:$0x3FAE] =	sst s10  }
0x35: {  	s10 =	sld [smem:$0x3FAD];
	_ =	sdelay $0x3  }
0x36: {  	p1 =	seq.s32 s10, $0x1;
	s10 =	sld [smem:$0x3FAE];
	_ =	sdelay $0x3  }
0x37: {  	[smem:$0x3FAE] =	sst s10  }
0x38: {  	s10 =	sld [smem:$0x3FAF]  }
0x39: {  	_ = 	snop;
	(pc) =	sbr.ind lr, $3  }
0x3a: {  	_ = 	snop  }
0x3b: {  	_ = 	snop  }
0x3c: {  	p2 =	seq.s32 s10, $0x1;
	s10 =	sld [smem:$0x3FAE]  }
0x3d: {  	_ =	shalt  }
0x3e: {  	_ =	shalt  }
0x3f: {  	_ =	shalt  }
0x40: {  	_ =	shalt  }
0x41: {  	_ =	shalt  }
0x42: {  	_ =	shalt  }
0x43: {  	_ =	shalt  }
0x44: {  	_ =	shalt  }
0x45: {  	_ =	shalt  }
0x46: {  	_ =	shalt  }
0x47: {  	_ =	shalt  }
0x48: {  	_ =	shalt  }
0x49: {  	_ =	shalt  }
0x4a: {  	_ =	shalt  }
0x4b: {  	_ =	shalt  }
0x4c: {  	_ =	shalt  }
0x4d: {  	_ =	shalt  }
0x4e: {  	_ =	shalt  }
0x4f: {  	_ =	shalt  }
0x50: {  	_ =	shalt  }
0x51: {  	_ =	shalt  }
0x52: {  	_ =	shalt  }
0x53: {  	_ =	shalt  }
0x54: {  	_ =	shalt  }
0x55: {  	_ =	shalt  }
0x56: {  	_ =	shalt  }
0x57: {  	_ =	shalt  }
0x58: {  	_ =	shalt  }
0x59: {  	_ =	shalt  }
0x5a: {  	_ =	shalt  }
0x5b: {  	_ =	shalt  }
0x5c: {  	_ =	shalt  }
0x5d: {  	_ =	shalt  }
0x5e: {  	_ =	shalt  }
0x5f: {  	_ =	shalt  }
0x60: {  	_ =	shalt  }
0x61: {  	_ =	shalt  }
0x62: {  	_ =	shalt  }
0x63: {  	_ =	shalt  }
0x64: {  	_ =	shalt  }
0x65: {  	_ =	shalt  }
0x66: {  	_ =	shalt  }
0x67: {  	_ =	shalt  }
0x68: {  	_ =	shalt  }
0x69: {  	_ =	shalt  }
0x6a: {  	_ =	shalt  }
0x6b: {  	_ =	shalt  }
0x6c: {  	_ =	shalt  }
0x6d: {  	_ =	shalt  }
0x6e: {  	_ =	shalt  }
0x6f: {  	_ =	shalt  }
0x70: {  	_ =	shalt  }
0x71: {  	_ =	shalt  }
0x72: {  	_ =	shalt  }
0x73: {  	_ =	shalt  }
0x74: {  	_ =	shalt  }
0x75: {  	_ =	shalt  }
0x76: {  	_ =	shalt  }
0x77: {  	_ =	shalt  }
0x78: {  	_ =	shalt  }
0x79: {  	_ =	shalt  }
0x7a: {  	_ =	shalt  }
0x7b: {  	_ =	shalt  }
0x7c: {  	_ =	shalt  }
0x7d: {  	_ =	shalt  }
0x7e: {  	_ =	shalt  }
0x7f: {  	_ =	shalt  }
0x80: {  	_ =	shalt  }
0x81: {  	_ =	shalt  }
0x82: {  	_ =	shalt  }
0x83: {  	_ =	shalt  }
0x84: {  	_ =	shalt  }
0x85: {  	_ =	shalt  }
0x86: {  	_ =	shalt  }
0x87: {  	_ =	shalt  }
.Lfunc_end0:
.L_simem_size_0:
called_computation_lowered:
.L_overlay_start_0:
0x88: {  	s2 =	sld [smem:$0x3FD9]  }
0x89: {  	s3 =	sld [smem:$0x3FFE];
	_ =	sdelay $0x1  }
0x8a: {  	s1 =	srdreg.scid  }
0x8b: {  	s0 =	sand.u32 $0x1, s1  }
0x8c: {  	s17 =	sshll.u32 s0, $0xA;
	s2 =	sadd.s32 s3, s2  }
0x8d: {  	s2 =	sadd.s32 s2, s17  }
0x8e: {  	[smem:$0x3FBA] =	sst s2  }
0x8f: {  	_ = 	snop  }
0x90: {  	s2 =	sld [smem:$0x3FC9]  }
0x91: {  	s18 =	sld [smem:$0x3FC8];
	(tm) =	ssettm $0x1  }
0x92: {  	s4 =	sld [smem:$0x3FFB];
	_ =	sdelay $0x3  }
0x93: {  	_ =	strace s4  }
0x94: {  	s4 =	sld [smem:$0x3FFC];
	_ =	sdelay $0x3  }
0x95: {  	_ =	strace s4  }
0x96: {  	s4 =	sld [smem:$0x3FFD];
	_ =	sdelay $0x3  }
0x97: {  	_ =	strace s4  }
0x98: {  	_ =	strace $0x8FFFFFFF  }
0x99: {  	s19 =	sld [smem:$0x3FDB];
	_ =	sdelay $0x1  }
0x9a: {  	s5 =	simm.s32 $_scs_section_size  }
0x9b: {  	s6 =	simm.s32 $_size__tile_overlayer_lowered;
	s7 =	simm.s32 $_tile_overlayer_lowered  }
0x9c: {  	s22 =	simm.s32 $0x1BFF;
	s21 =	sshll.u32 s7, $0x1;
	s4 =	sadd.s32 s5, s19  }
0x9d: {  	s8 =	simm.s32 $0x0;
	s20 =	sshll.u32 s6, $0x1;
	s6 =	sadd.s32 s21, s4  }
0x9e: {  	[timem:s8], [sflag:s22] =	dma.local [hbm:s6], s20  }
0x9f: {  	_ =	swait.ge [sflag:s22], s20  }
0xa0: {  	s5 =	ssub.s32 $0x0, s20;
	[sflag:s22] =	ssyncset.done $0x0  }
0xa1: {  	[sflag:s22] =	ssyncadd.s32 s5;
	_ =	sdelay $0x1  }
0xa2: {  	s23 =	simm.s32 $0x1B8B  }
0xa3: {  	_ =	swait.ge [sflag:s23], $0x1  }
0xa4: {  	[sflag:s23] =	ssyncset.done $0x0  }
0xa5: {  	s25 =	simm.s32 $0x1B8E;
	s24 =	sld [smem:$0x3FFE];
	[sflag:s23] =	ssyncadd.s32 $0xFFFFFFFF  }
0xa6: {  	s26 =	simm.s32 $execute0_lowered;
	[smem:$0x3FD2] =	sst s25  }
0xa7: {  	s6 =	sshll.u32 s26, $0x1;
	_ =	strace $0x80000046;
	[dreg:$0x1] =	wrdreg $0xFFFFFFFF  }
0xa8: {  	s28 =	simm.s32 $_size_execute0_lowered;
	s4 =	sadd.s32 s4, s6;
	[dreg:$0x0] =	wrdreg $0x0  }
0xa9: {  	s6 =	sshll.u32 s28, $0x1;
	[dreg:$0x2] =	wrdreg s4  }
0xaa: {  	[dreg:$0x3] =	wrdreg s6  }
0xab: {  	[dreg:$0x4] =	wrdreg $0xC0  }
0xac: {  	_ =	task [dreg:s8], $0x5FFFF  }
0xad: {  	[dreg:$0x1] =	wrdreg $0xFFFFFFFF  }
0xae: {  	[dreg:$0x0] =	wrdreg $0x60  }
0xaf: {  	[dreg:$0x2] =	wrdreg s2  }
0xb0: {  	[dreg:$0x3] =	wrdreg s18  }
0xb1: {  	[dreg:$0x4] =	wrdreg s24  }
0xb2: {  	[dreg:$0x5] =	wrdreg $0x9  }
0xb3: {  	_ =	task.clear_ibuf [dreg:s8], $0x6FFFF;
	_ =	strace $0x90000046  }
0xb4: {  	s29 =	simm.s32 $0x9;
	_ =	strace $0x80000048  }
0xb5: {  	_ =	swait.ge [sflag:s29], $0x1  }
0xb6: {  	[sflag:s29] =	ssyncadd.s32 $0xFFFFFFFF  }
0xb7: {  	_ =	strace $0x90000048  }
0xb8: {  	_ =	sfence  }
0xb9: {  	s30 =	sld [smem:$0x0];
	_ =	sdelay $0x2  }
0xba: {  	s31 =	sshll.u32 s1, $0xD;
	s1 =	sshrl.u32 s1, $0x2  }
0xbb: {  	s3 =	sand.u32 $0x4000, s31;
	s1 =	sadd.s32 s1, s30  }
0xbc: {  	s0 =	sor.u32 s3, s0;
	s1 =	sshll.u32 s1, $0x11  }
0xbd: {  	s0 =	sor.u32 s1, s0  }
0xbe: {  	s0 =	sadd.s32 $0x8F2B, s0  }
0xbf: {  	[sflag:s0] =	ssyncadd.remote.s32 $0x1  }
0xc0: {  	_ =	sfence.sel $0xFFFF  }
0xc1: {  	[dreg:$0x0] =	wrdreg $0xFFFFFFFF;
	(pc) =	sbr.abs _section_cstart, $3  }
0xc2: {  	[dreg:$0x1] =	wrdreg $0xFFFFFFFF  }
0xc3: {  	_ =	task.clear_ibuf [dreg:s8], $0x2FFFF;
	_ =	strace $0x9FFFFFFF  }
0xc4: {  	(tm) =	ssettm $0x7FFFFFFF  }
0xc5: {  	_ =	shalt  }
tec
execute0_lowered:
.L_overlay_start_1:
0x0: {  	(tag) =	ssettag $0x1  }
0x1: {  	s6 =	rddreg [dreg:$0x0]  }
0x2: {  	s1 =	srdreg.scid;
	s8 =	rddreg [dreg:$0x1]  }
0x3: {  	s0 =	stileid.u32;
	s9 =	rddreg [dreg:$0x2]  }
0x4: {  	s2 =	simm.s32 $0x0;
	s7 =	sand.u32 $0x1, s1;
	s1 =	rddreg [dreg:$0x3]  }
0x5: {  	s16 =	simm.s32 $0x0;
	s3 =	smul.u32 $0x6800, s0;
	[smem:$0x7FF] =	sst s2  }
0x6: {  	s5 =	sadd.s32 $0x27ADC00, s9;
	s11 =	sshll.u32 s0, $0x1;
	s14 =	smul.u32 $0xD000, s0  }
0x7: {  	s4 =	smul.u32 $0x3400, s7;
	_ =	strace $0x80000047;
	s10 =	ssub.s32 $0x2, s7  }
0x8: {  	s11 =	sor.u32 s7, s11;
	s15 =	smul.u32 $0x6800, s7;
	s13 =	sshrl.u32 s10, $0x1  }
0x9: {  	s30 =	sshll.u32 s11, $0x6;
	s11 =	sshll.u32 s11, $0xA;
	s3 =	sadd.s32 s4, s3  }
0xa: {  	s4 =	sadd.s32 $0xF43C00, s9;
	s10 =	ssub.s32 s10, s13;
	s6 =	sadd.s32 s6, s30  }
0xb: {  	s8 =	sadd.s32 s8, s30;
	s13 =	simm.s32 $0x2;
	s3 =	sshrl.u32 s3, $0x3  }
0xc: {  	s12 =	sadd.s32 s3, s9;
	s3 =	sadd.s32 $0x112C200, s9;
	s9 =	sadd.s32 $0xE800, s9  }
0xd: {  	s10 =	smax.u32 s10, $0x1;
	s7 =	sadd.s32 s9, s11;
	s31 =	sadd.s32 s14, s9  }
0xe: {  	s12 =	sadd.s32 $0x1800, s12;
	s14 =	simm.s32 $0x200;
	s11 =	sadd.s32 s15, s31  }
0xf: {  	s9 =	sadd.s32 $0x8000, s7;
	s15 =	simm.s32 $0x1;
	s11 =	sadd.s32 $0x10000, s11  }
.LBB2_1:
0x10: {  	[tilespmem:s2], [sflag:$0x2] =	stream.linear.gather [hbm4b:s6+s2], $0x200, $0x38;
	[tilespmem:$0x2200] =	vst v63  }
0x11: {  	_ =	swait.ge [sflag:s13], $0x200  }
0x12: {  	[sflag:s13] =	ssyncset.done $0x0  }
0x13: {  	[sflag:s13] =	ssyncadd.s32 $0xFFFFFE00  }
0x14: {  	[tilespmem:s14], [sflag:$0x1] =	stream.indirect.gather [hbm4b:s3+s14], $0x10, s2, s14, $0xb8;
	[tilespmem:$0x2200] =	vst v63  }
0x15: {  	_ =	swait.ge [sflag:s15], $0x2000  }
0x16: {  	[sflag:s15] =	ssyncset.done $0x0  }
0x17: {  	[sflag:s15] =	ssyncadd.s32 $0xFFFFE000  }
0x18: {  	[hbm4b:s7+s2] =	stream.linear.scatter [tilespmem:s14], [sflag:$0x2], $0x2000, $0x38;
	[tilespmem:$0x2200] =	vst v63  }
0x19: {  	_ =	swait.ge [sflag:s13], $0x2000  }
0x1a: {  	[sflag:s13] =	ssyncset.done $0x0  }
0x1b: {  	[sflag:s13] =	ssyncadd.s32 $0xFFFFE000  }
0x1c: {  	[tilespmem:s2], [sflag:$0x2] =	stream.linear.gather [hbm4b:s8+s2], $0x200, $0x38;
	[tilespmem:$0x2200] =	vst v63  }
0x1d: {  	_ =	swait.ge [sflag:s13], $0x200  }
0x1e: {  	[sflag:s13] =	ssyncset.done $0x0  }
0x1f: {  	[sflag:s13] =	ssyncadd.s32 $0xFFFFFE00  }
0x20: {  	[tilespmem:s14], [sflag:$0x1] =	stream.indirect.gather [hbm4b:s4+s14], $0x10, s2, s14, $0xb8;
	[tilespmem:$0x2200] =	vst v63  }
0x21: {  	_ =	swait.ge [sflag:s15], $0x2000  }
0x22: {  	[sflag:s15] =	ssyncset.done $0x0  }
0x23: {  	[sflag:s15] =	ssyncadd.s32 $0xFFFFE000  }
0x24: {  	[hbm4b:s9+s2] =	stream.linear.scatter [tilespmem:s14], [sflag:$0x2], $0x2000, $0x38;
	[tilespmem:$0x2200] =	vst v63  }
0x25: {  	_ =	swait.ge [sflag:s13], $0x2000  }
0x26: {  	[sflag:s13] =	ssyncset.done $0x0  }
0x27: {  	s17 =	sadd.s32 $0x0, s12;
	[sflag:s13] =	ssyncadd.s32 $0xFFFFE000  }
0x28: {  	[tilespmem:s2], [sflag:$0x2] =	stream.linear.gather [hbm4b:s17+s2], $0x200, $0x38;
	[tilespmem:$0x2200] =	vst v63  }
0x29: {  	_ =	swait.ge [sflag:s13], $0x200  }
0x2a: {  	[sflag:s13] =	ssyncset.done $0x0  }
0x2b: {  	[sflag:s13] =	ssyncadd.s32 $0xFFFFFE00  }
0x2c: {  	[tilespmem:s14], [sflag:$0x1] =	stream.indirect.gather [hbm4b:s5+s14], $0x10, s2, s14, $0xb8;
	[tilespmem:$0x2200] =	vst v63  }
0x2d: {  	_ =	swait.ge [sflag:s15], $0x2000  }
0x2e: {  	[sflag:s15] =	ssyncset.done $0x0  }
0x2f: {  	[sflag:s15] =	ssyncadd.s32 $0xFFFFE000  }
0x30: {  	[hbm4b:s11+s2] =	stream.linear.scatter [tilespmem:s14], [sflag:$0x2], $0x2000, $0x38;
	[tilespmem:$0x2200] =	vst v63  }
0x31: {  	s18 =	simm.s32 $0x40;
	_ =	swait.ge [sflag:s13], $0x2000  }
0x32: {  	s19 =	simm.s32 $0x80;
	s17 =	sadd.s32 $0x400, s11;
	[sflag:s13] =	ssyncset.done $0x0  }
.LBB2_2:
0x33: {  	s20 =	sadd.s32 s18, s12  }
0x34: {  	[sflag:s13] =	ssyncadd.s32 $0xFFFFE000;
	s18 =	smov.u32 s19;
	s21 =	sadd.s32 $0x40, s19  }
0x35: {  	[tilespmem:s2], [sflag:$0x2] =	stream.linear.gather [hbm4b:s20+s2], $0x200, $0x38;
	[tilespmem:$0x2200] =	vst v63  }
0x36: {  	p0 =	sne.s32 s19, $0x640;
	_ =	swait.ge [sflag:s13], $0x200  }
0x37: {  	[sflag:s13] =	ssyncset.done $0x0  }
0x38: {  	[sflag:s13] =	ssyncadd.s32 $0xFFFFFE00  }
0x39: {  	[tilespmem:s14], [sflag:$0x1] =	stream.indirect.gather [hbm4b:s5+s14], $0x10, s2, s14, $0xb8;
	[tilespmem:$0x2200] =	vst v63  }
0x3a: {  	_ =	swait.ge [sflag:s15], $0x2000  }
.Ltmp0:
0x3b: {  	[sflag:s15] =	ssyncset.done $0x0;
	(pc) =	sbr.rel @p0 .LBB2_2-.Ltmp0, $4  }
0x3c: {  	[sflag:s15] =	ssyncadd.s32 $0xFFFFE000  }
0x3d: {  	[hbm4b:s17+s2] =	stream.linear.scatter [tilespmem:s14], [sflag:$0x2], $0x2000, $0x38;
	[tilespmem:$0x2200] =	vst v63  }
0x3e: {  	_ =	swait.ge [sflag:s13], $0x2000  }
0x3f: {  	s19 =	smov.u32 s21;
	s17 =	sadd.s32 $0x400, s17;
	[sflag:s13] =	ssyncset.done $0x0  }
0x40: {  	s18 =	sadd.s32 s18, s12;
	[sflag:s13] =	ssyncadd.s32 $0xFFFFE000  }
0x41: {  	[tilespmem:s2], [sflag:$0x2] =	stream.linear.gather [hbm4b:s18+s2], $0x200, $0x38;
	[tilespmem:$0x2200] =	vst v63  }
0x42: {  	_ =	swait.ge [sflag:s13], $0x200  }
0x43: {  	[sflag:s13] =	ssyncset.done $0x0  }
0x44: {  	[sflag:s13] =	ssyncadd.s32 $0xFFFFFE00  }
0x45: {  	[tilespmem:s14], [sflag:$0x1] =	stream.indirect.gather [hbm4b:s5+s14], $0x10, s2, s14, $0xb8;
	[tilespmem:$0x2200] =	vst v63  }
0x46: {  	s16 =	sadd.s32 $0x1, s16;
	_ =	swait.ge [sflag:s15], $0x2000  }
0x47: {  	p0 =	sne.s32 s16, s10;
	[sflag:s15] =	ssyncset.done $0x0  }
.Ltmp1:
0x48: {  	[sflag:s15] =	ssyncadd.s32 $0xFFFFE000;
	(pc) =	sbr.rel @p0 .LBB2_1-.Ltmp1, $4  }
0x49: {  	[hbm4b:s17+s2] =	stream.linear.scatter [tilespmem:s14], [sflag:$0x2], $0x2000, $0x38;
	[tilespmem:$0x2200] =	vst v63  }
0x4a: {  	_ =	swait.ge [sflag:s13], $0x2000  }
0x4b: {  	[sflag:s13] =	ssyncset.done $0x0  }
0x4c: {  	[sflag:s13] =	ssyncadd.s32 $0xFFFFE000  }
0x4d: {  	_ =	sfence.sel $0x180000  }
0x4e: {  	[bflag:$0x0] =	sbarrier.arrive $0xFFFF  }
0x4f: {  	p0 =	sne.s32 s0, $0x0;
	_ =	strace $0x90000047  }
0x50: {  	s0 =	sadd.s32 @!p0 $0x100000, s1;
	[bflag:$0x2] =	sbarrier.arrive $0xFFFF  }
0x51: {  	[sflag:s0] =	ssyncadd.tile.s32 @!p0 $0x1;
	_ =	shalt  }
.Lfunc_end2:
_tile_overlayer_lowered:
.L_overlay_start_2:
0x52: {  	(tag) =	ssettag $0x2  }
0x53: {  	s0 =	rddreg [dreg:$0x0];
	s2 =	stileid.u32  }
0x54: {  	s1 =	rddreg [dreg:$0x1];
	p0 =	sne.s32 s2, $0x0  }
0x55: {  	s3 =	rddreg [dreg:$0x2];
	[bflag:$0x3] =	sbarrier.arrive $0xFFFF;
	s2 =	simm.s32 @!p0 $0x1C02  }
0x56: {  	[timem:s3], [sflag:s2] =	dma.local @!p0 [hbm:s0], s1  }
0x57: {  	s0 =	simm.s32 @!p0 $0x2  }
0x58: {  	_ =	swait.ge @!p0 [sflag:s0], s1  }
0x59: {  	s1 =	ssub.s32 @!p0 $0x0, s1;
	[sflag:s0] =	ssyncset.done @!p0 $0x0  }
0x5a: {  	[sflag:s0] =	ssyncadd.s32 @!p0 s1  }
0x5b: {  	[bflag:$0x3] =	sbarrier.arrive $0xFFFF  }
0x5c: {  	_ =	shalt  }

</sc_bundles>
